<compile_context>
chip_gen: v7x
topology: tpu7x:2x2x1
jax: 0.10.2.dev20260603
libtpu: 0.0.44.dev20260713+nightly
codegen_flags: <defaults>
</compile_context>

<pallas_src>
import functools

import jax
import jax.numpy as jnp
from jax import lax
from jax.experimental import pallas as pl
from jax.experimental.pallas import tpu as pltpu
from jax.experimental.pallas import tpu_sc as plsc

_N = 10000
_D = 128
_E = 320000
_NC = 2
_NS = 16
_NW = _NC * _NS
_G = 64
_NCH = 160
_EPW = _NCH * _G
_EPAD = _NW * _EPW
_ACC_ROWS = 10240
_ROWS_T = _ACC_ROWS // _NS
_DEG_T = _ACC_ROWS // _NS
_BM = 640
_NBUF = 4
_CB = 40

@functools.lru_cache(maxsize=None)
def _sc_kernels():
    mesh = plsc.VectorSubcoreMesh(
        core_axis_name="c", subcore_axis_name="s",
        num_cores=_NC, num_subcores=_NS,
    )

    @functools.partial(
        pl.kernel,
        out_type=[
            jax.ShapeDtypeStruct((_ACC_ROWS,), jnp.float32),
            jax.ShapeDtypeStruct((_ACC_ROWS,), jnp.float32),
        ],
        mesh=mesh,
        scratch_types=[
            pltpu.VMEM((_NCH, _G), jnp.int32),
            pltpu.VMEM((_G,), jnp.float32),
            pltpu.VMEM((_DEG_T,), jnp.float32),
            pltpu.VMEM_SHARED((_ACC_ROWS,), jnp.float32),
        ],
    )
    def deg_kernel(dst3, out_a, out_b, didx, ones, zbuf, deg_sh):
        c = lax.axis_index("c")
        s = lax.axis_index("s")
        wid = c * _NS + s
        for i in range(_DEG_T // 16):
            zbuf[pl.ds(i * 16, 16)] = jnp.zeros((16,), jnp.float32)
        for i in range(_G // 16):
            ones[pl.ds(i * 16, 16)] = jnp.ones((16,), jnp.float32)
        pltpu.sync_copy(zbuf, deg_sh.at[pl.ds(s * _DEG_T, _DEG_T)])
        pltpu.sync_copy(dst3.at[wid], didx)
        plsc.subcore_barrier()

        def body(ch, carry):
            pltpu.sync_copy(ones, deg_sh.at[didx.at[ch]], add=True)
            return carry

        lax.fori_loop(0, _NCH, body, 0)
        plsc.subcore_barrier()

        @pl.when(c == 0)
        def _():
            pltpu.sync_copy(
                deg_sh.at[pl.ds(s * _DEG_T, _DEG_T)],
                out_a.at[pl.ds(s * _DEG_T, _DEG_T)],
            )

        @pl.when(c == 1)
        def _():
            pltpu.sync_copy(
                deg_sh.at[pl.ds(s * _DEG_T, _DEG_T)],
                out_b.at[pl.ds(s * _DEG_T, _DEG_T)],
            )

    @functools.partial(
        pl.kernel,
        out_type=jax.ShapeDtypeStruct((_NC, _ACC_ROWS, _D), jnp.float32),
        mesh=mesh,
        scratch_types=[
            pltpu.VMEM((_CB, _G), jnp.int32),
            pltpu.VMEM((_CB, _G), jnp.int32),
            pltpu.VMEM((_NBUF, _G, _D), jnp.float32),
            pltpu.VMEM_SHARED((_ACC_ROWS, _D), jnp.float32),
        ] + [pltpu.SemaphoreType.DMA] * _NBUF,
    )
    def spmm_kernel(y, src3, dst3, out, sidx, didx, rows, acc, *sems):
        c = lax.axis_index("c")
        s = lax.axis_index("s")
        wid = c * _NS + s
        rb = s * _ROWS_T
        pltpu.sync_copy(y.at[pl.ds(rb, _ROWS_T)], acc.at[pl.ds(rb, _ROWS_T)])
        plsc.subcore_barrier()
        npair = _CB // _NBUF

        def batch_body(bt, carry):
            cb0 = bt * _CB
            pltpu.sync_copy(src3.at[wid, pl.ds(cb0, _CB)], sidx)
            pltpu.sync_copy(dst3.at[wid, pl.ds(cb0, _CB)], didx)
            for b in range(_NBUF):
                pltpu.async_copy(y.at[sidx.at[b]], rows.at[b], sems[b])

            def chunk_body(t, carry2):
                base = t * _NBUF
                for b in range(_NBUF):
                    i = base + b
                    pltpu.make_async_copy(
                        y.at[sidx.at[i]], rows.at[b], sems[b]
                    ).wait()
                    pltpu.sync_copy(rows.at[b], acc.at[didx.at[i]], add=True)

                    @pl.when(t < npair - 1)
                    def _(b=b, i=i):
                        pltpu.async_copy(
                            y.at[sidx.at[i + _NBUF]], rows.at[b], sems[b]
                        )

                return carry2

            lax.fori_loop(0, npair, chunk_body, 0)
            return carry

        lax.fori_loop(0, _NCH // _CB, batch_body, 0)
        plsc.subcore_barrier()
        pltpu.sync_copy(acc.at[pl.ds(rb, _ROWS_T)], out.at[c, pl.ds(rb, _ROWS_T)])

    return deg_kernel, spmm_kernel


def _mmA_body(d0, d1, x, w, y, dis):
    disv = lax.rsqrt(d0[...] + d1[...] + 1.0)
    y[...] = disv * jnp.dot(x[...], w[...], preferred_element_type=jnp.float32)
    dis[...] = disv


def _mmA(d0, d1, x, w):
    return pl.pallas_call(
        _mmA_body,
        grid=(_ACC_ROWS // _BM,),
        in_specs=[
            pl.BlockSpec((_BM, 1), lambda i: (i, 0)),
            pl.BlockSpec((_BM, 1), lambda i: (i, 0)),
            pl.BlockSpec((_BM, _D), lambda i: (i, 0)),
            pl.BlockSpec((_D, _D), lambda i: (0, 0)),
        ],
        out_specs=[
            pl.BlockSpec((_BM, _D), lambda i: (i, 0)),
            pl.BlockSpec((_BM, 1), lambda i: (i, 0)),
        ],
        out_shape=[
            jax.ShapeDtypeStruct((_ACC_ROWS, _D), jnp.float32),
            jax.ShapeDtypeStruct((_ACC_ROWS, 1), jnp.float32),
        ],
    )(d0, d1, x, w)


def _mmB_body(p, y1, dis, w, b, y2):
    pv = p[...]
    a = pv[0] + pv[1] - y1[...]
    h = jnp.maximum(dis[...] * a + b[...], 0.0)
    y2[...] = dis[...] * jnp.dot(h, w[...], preferred_element_type=jnp.float32)


def _mmB(p, y1, dis, w, b):
    return pl.pallas_call(
        _mmB_body,
        grid=(_ACC_ROWS // _BM,),
        in_specs=[
            pl.BlockSpec((_NC, _BM, _D), lambda i: (0, i, 0)),
            pl.BlockSpec((_BM, _D), lambda i: (i, 0)),
            pl.BlockSpec((_BM, 1), lambda i: (i, 0)),
            pl.BlockSpec((_D, _D), lambda i: (0, 0)),
            pl.BlockSpec((1, _D), lambda i: (0, 0)),
        ],
        out_specs=pl.BlockSpec((_BM, _D), lambda i: (i, 0)),
        out_shape=jax.ShapeDtypeStruct((_ACC_ROWS, _D), jnp.float32),
    )(p, y1, dis, w, b)


def _mmC_body(q, y2, dis, b, o):
    qv = q[...]
    o[...] = dis[...] * (qv[0] + qv[1] - y2[...]) + b[...]


def _mmC(q, y2, dis, b):
    return pl.pallas_call(
        _mmC_body,
        grid=(_ACC_ROWS // _BM,),
        in_specs=[
            pl.BlockSpec((_NC, _BM, _D), lambda i: (0, i, 0)),
            pl.BlockSpec((_BM, _D), lambda i: (i, 0)),
            pl.BlockSpec((_BM, 1), lambda i: (i, 0)),
            pl.BlockSpec((1, _D), lambda i: (0, 0)),
        ],
        out_specs=pl.BlockSpec((_BM, _D), lambda i: (i, 0)),
        out_shape=jax.ShapeDtypeStruct((_ACC_ROWS, _D), jnp.float32),
    )(q, y2, dis, b)


def kernel(x, edge_index, W1, b1, W2, b2):
    ei = edge_index.astype(jnp.int32)
    src = ei[0]
    dst = ei[1]
    npad = _EPAD - _E
    srcp = jnp.concatenate([src, jnp.zeros((npad,), jnp.int32)]).reshape(
        _NW, _NCH, _G
    )
    dstp = jnp.concatenate([dst, jnp.full((npad,), _N, jnp.int32)]).reshape(
        _NW, _NCH, _G
    )
    deg_kernel, spmm_kernel = _sc_kernels()
    dega, degb = deg_kernel(dstp)
    xp = jnp.concatenate(
        [x, jnp.zeros((_ACC_ROWS - _N, _D), jnp.float32)]
    )
    y1, dis = _mmA(dega[:, None], degb[:, None], xp, W1)
    p = spmm_kernel(y1, srcp, dstp)
    y2 = _mmB(p, y1, dis, W2, b1.reshape(1, _D))
    q = spmm_kernel(y2, srcp, dstp)
    out = _mmC(q, y2, dis, b2.reshape(1, _D))
    return out[:_N]

# --- scband reference (transcript-rebuilt; emitter-appended) ---
"""Pipeline reference for scband-gcn-24739011625365 (READ-ONLY COPY).

The authoritative reference and input builder live on the scoring server;
editing this copy changes nothing except your own understanding.
"""

import jax, jax.numpy as jnp
import numpy as np

N_NODES = 10000
D_IN = 128
D_HID = 128
D_OUT = 128
N_EDGES = 320000


def _gcn_conv(x, src, dst, W, b, n_nodes):
    # PyG GCNConv: add self-loops, symmetric normalization D^-1/2 (A+I) D^-1/2, linear, bias
    loop = jnp.arange(n_nodes, dtype=src.dtype)
    src_f = jnp.concatenate([src, loop])
    dst_f = jnp.concatenate([dst, loop])
    deg = jnp.zeros((n_nodes,), dtype=x.dtype).at[dst_f].add(1.0)
    deg_inv_sqrt = jnp.where(deg > 0, 1.0 / jnp.sqrt(deg), 0.0)
    norm = deg_inv_sqrt[src_f] * deg_inv_sqrt[dst_f]
    xw = x @ W
    msg = xw[src_f] * norm[:, None]
    out = jnp.zeros((n_nodes, W.shape[1]), dtype=x.dtype).at[dst_f].add(msg)
    return out + b


def setup_inputs(seed: int = 0) -> dict:
    key = jax.random.key(seed)
    k1, k2, k3, k4 = jax.random.split(key, 4)
    x = jax.random.normal(k1, (N_NODES, D_IN), dtype=jnp.float32)
    edge_index = jax.random.randint(k2, (2, N_EDGES), 0, N_NODES, dtype=jnp.int64)
    s1 = 1.0 / np.sqrt(D_IN)
    W1 = jax.random.uniform(k3, (D_IN, D_HID), dtype=jnp.float32, minval=-s1, maxval=s1)
    b1 = jnp.zeros((D_HID,), dtype=jnp.float32)
    s2 = 1.0 / np.sqrt(D_HID)
    W2 = jax.random.uniform(k4, (D_HID, D_OUT), dtype=jnp.float32, minval=-s2, maxval=s2)
    b2 = jnp.zeros((D_OUT,), dtype=jnp.float32)
    return {"x": x, "edge_index": edge_index, "W1": W1, "b1": b1, "W2": W2, "b2": b2}


def reference(x, edge_index, W1, b1, W2, b2):
    src = edge_index[0]
    dst = edge_index[1]
    h = _gcn_conv(x, src, dst, W1, b1, N_NODES)
    h = jax.nn.relu(h)
    # dropout p=0.0, eval mode -> identity
    out = _gcn_conv(h, src, dst, W2, b2, N_NODES)
    return out

if __name__ == "__main__":
    import jax
    _d = setup_inputs()
    print(jax.jit(kernel)(*tuple(_d.values())))

</pallas_src>

<mosaic_0001>
#map = affine_map<(d0, d1) -> (0, 0)>
#map1 = affine_map<(d0, d1) -> (0, 0, 0)>
module attributes {stable_mosaic.version = 14 : i64} {
  func.func @spmm_kernel(%arg0: i32, %arg1: i32, %arg2: memref<10240x128xf32, #tpu.memory_space<hbm>>, %arg3: memref<32x160x64xi32, #tpu.memory_space<hbm>>, %arg4: memref<32x160x64xi32, #tpu.memory_space<hbm>>, %arg5: memref<2x10240x128xf32, #tpu.memory_space<hbm>>, %arg6: memref<40x64xi32, #tpu.memory_space<vmem>>, %arg7: memref<40x64xi32, #tpu.memory_space<vmem>>, %arg8: memref<4x64x128xf32, #tpu.memory_space<vmem>>, %arg9: memref<10240x128xf32, #tpu.memory_space<vmem_shared>>, %arg10: memref<!tpu.dma_semaphore, #tpu.memory_space<semaphore_mem>>, %arg11: memref<!tpu.dma_semaphore, #tpu.memory_space<semaphore_mem>>, %arg12: memref<!tpu.dma_semaphore, #tpu.memory_space<semaphore_mem>>, %arg13: memref<!tpu.dma_semaphore, #tpu.memory_space<semaphore_mem>>) attributes {dimension_semantics = [#tpu.dimension_semantics<core_parallel>, #tpu.dimension_semantics<subcore_parallel>], iteration_bounds = array<i64: 2, 16>, scalar_prefetch = 0 : i64, scratch_operands = 8 : i64, tpu.core_type = #tpu.core_type<sc_vector_subcore>, window_params = [{transform_indices = #map}, {transform_indices = #map1}, {transform_indices = #map1}, {transform_indices = #map1}]} {
    %mul3A = arith.constant 16 : i32
    %mul3A_0 = arith.muli %arg0, %mul3A : i32
    %add3A = arith.addi %mul3A_0, %arg1 : i32
    %mul3A_1 = arith.constant 640 : i32
    %mul3A_2 = arith.muli %arg1, %mul3A_1 : i32
    "tpu.region"() ({
      %run_scoped3A = tpu.sem_alloc : memref<!tpu.dma_semaphore, #tpu.memory_space<semaphore_mem>>
      %dma_start3A = arith.constant 0 : i32
      %dma_start3A_9 = tpu.memref_slice %arg9[%mul3A_2, %dma_start3A] : memref<10240x128xf32, #tpu.memory_space<vmem_shared>> -> memref<640x128xf32, #tpu.memory_space<vmem_shared>>
      %dma_start3A_10 = arith.constant 0 : i32
      %dma_start3A_11 = tpu.memref_slice %arg2[%mul3A_2, %dma_start3A_10] : memref<10240x128xf32, #tpu.memory_space<hbm>> -> memref<640x128xf32, #tpu.memory_space<hbm>>
      tpu.enqueue_dma source(%dma_start3A_11 : memref<640x128xf32, #tpu.memory_space<hbm>>) target(%dma_start3A_9 : memref<640x128xf32, #tpu.memory_space<vmem_shared>>) target_semaphore(%run_scoped3A : memref<!tpu.dma_semaphore, #tpu.memory_space<semaphore_mem>>)
      %dma_wait3A = arith.constant 0 : i32
      %dma_wait3A_12 = tpu.memref_slice %arg9[%mul3A_2, %dma_wait3A] : memref<10240x128xf32, #tpu.memory_space<vmem_shared>> -> memref<640x128xf32, #tpu.memory_space<vmem_shared>>
      %dma_wait3A_13 = arith.constant 0 : i32
      %dma_wait3A_14 = tpu.memref_slice %arg2[%mul3A_2, %dma_wait3A_13] : memref<10240x128xf32, #tpu.memory_space<hbm>> -> memref<640x128xf32, #tpu.memory_space<hbm>>
      tpu.wait_dma2 semaphore(%run_scoped3A : memref<!tpu.dma_semaphore, #tpu.memory_space<semaphore_mem>>) src(%dma_wait3A_14 : memref<640x128xf32, #tpu.memory_space<hbm>>) dst(%dma_wait3A_12 : memref<640x128xf32, #tpu.memory_space<vmem_shared>>)
      tpu.yield
    }) : () -> ()
    %barrier3A = arith.constant 0 : index
    tpu.barrier barrier_id(%barrier3A)
    %scan3A = arith.constant 0 : i32
    %scan3A_3 = arith.constant 0 : i32
    %scan3A_4 = arith.constant 4 : i32
    %scan3A_5 = arith.addi %scan3A_3, %scan3A_4 : i32
    %scan3A_6 = arith.constant 1 : i32
    scf.for %scan3A_9 = %scan3A_3 to %scan3A_5 step %scan3A_6  : i32 {
      %mul3A_10 = arith.constant 40 : i32
      %mul3A_11 = arith.muli %scan3A_9, %mul3A_10 : i32
      "tpu.region"() ({
        %run_scoped3A = tpu.sem_alloc : memref<!tpu.dma_semaphore, #tpu.memory_space<semaphore_mem>>
        %dma_start3A_65 = arith.constant 0 : i32
        %dma_start3A_66 = tpu.memref_slice %arg3[%add3A, %mul3A_11, %dma_start3A_65] : memref<32x160x64xi32, #tpu.memory_space<hbm>> -> memref<1x40x64xi32, #tpu.memory_space<hbm>>
        %dma_start3A_67 = tpu.memref_squeeze %dma_start3A_66 : memref<1x40x64xi32, #tpu.memory_space<hbm>> -> memref<40x64xi32, #tpu.memory_space<hbm>>
        %dma_start3A_68 = arith.constant 0 : i32
        %dma_start3A_69 = tpu.memref_slice %arg3[%add3A, %mul3A_11, %dma_start3A_68] : memref<32x160x64xi32, #tpu.memory_space<hbm>> -> memref<1x40x64xi32, #tpu.memory_space<hbm>>
        %dma_start3A_70 = tpu.memref_squeeze %dma_start3A_69 : memref<1x40x64xi32, #tpu.memory_space<hbm>> -> memref<40x64xi32, #tpu.memory_space<hbm>>
        tpu.enqueue_dma source(%dma_start3A_70 : memref<40x64xi32, #tpu.memory_space<hbm>>) target(%arg6 : memref<40x64xi32, #tpu.memory_space<vmem>>) target_semaphore(%run_scoped3A : memref<!tpu.dma_semaphore, #tpu.memory_space<semaphore_mem>>)
        %dma_wait3A = arith.constant 0 : i32
        %dma_wait3A_71 = tpu.memref_slice %arg3[%add3A, %mul3A_11, %dma_wait3A] : memref<32x160x64xi32, #tpu.memory_space<hbm>> -> memref<1x40x64xi32, #tpu.memory_space<hbm>>
        %dma_wait3A_72 = tpu.memref_squeeze %dma_wait3A_71 : memref<1x40x64xi32, #tpu.memory_space<hbm>> -> memref<40x64xi32, #tpu.memory_space<hbm>>
        %dma_wait3A_73 = arith.constant 0 : i32
        %dma_wait3A_74 = tpu.memref_slice %arg3[%add3A, %mul3A_11, %dma_wait3A_73] : memref<32x160x64xi32, #tpu.memory_space<hbm>> -> memref<1x40x64xi32, #tpu.memory_space<hbm>>
        %dma_wait3A_75 = tpu.memref_squeeze %dma_wait3A_74 : memref<1x40x64xi32, #tpu.memory_space<hbm>> -> memref<40x64xi32, #tpu.memory_space<hbm>>
        tpu.wait_dma2 semaphore(%run_scoped3A : memref<!tpu.dma_semaphore, #tpu.memory_space<semaphore_mem>>) src(%dma_wait3A_75 : memref<40x64xi32, #tpu.memory_space<hbm>>) dst(%arg6 : memref<40x64xi32, #tpu.memory_space<vmem>>)
        tpu.yield
      }) : () -> ()
      "tpu.region"() ({
        %run_scoped3A = tpu.sem_alloc : memref<!tpu.dma_semaphore, #tpu.memory_space<semaphore_mem>>
        %dma_start3A_65 = arith.constant 0 : i32
        %dma_start3A_66 = tpu.memref_slice %arg4[%add3A, %mul3A_11, %dma_start3A_65] : memref<32x160x64xi32, #tpu.memory_space<hbm>> -> memref<1x40x64xi32, #tpu.memory_space<hbm>>
        %dma_start3A_67 = tpu.memref_squeeze %dma_start3A_66 : memref<1x40x64xi32, #tpu.memory_space<hbm>> -> memref<40x64xi32, #tpu.memory_space<hbm>>
        %dma_start3A_68 = arith.constant 0 : i32
        %dma_start3A_69 = tpu.memref_slice %arg4[%add3A, %mul3A_11, %dma_start3A_68] : memref<32x160x64xi32, #tpu.memory_space<hbm>> -> memref<1x40x64xi32, #tpu.memory_space<hbm>>
        %dma_start3A_70 = tpu.memref_squeeze %dma_start3A_69 : memref<1x40x64xi32, #tpu.memory_space<hbm>> -> memref<40x64xi32, #tpu.memory_space<hbm>>
        tpu.enqueue_dma source(%dma_start3A_70 : memref<40x64xi32, #tpu.memory_space<hbm>>) target(%arg7 : memref<40x64xi32, #tpu.memory_space<vmem>>) target_semaphore(%run_scoped3A : memref<!tpu.dma_semaphore, #tpu.memory_space<semaphore_mem>>)
        %dma_wait3A = arith.constant 0 : i32
        %dma_wait3A_71 = tpu.memref_slice %arg4[%add3A, %mul3A_11, %dma_wait3A] : memref<32x160x64xi32, #tpu.memory_space<hbm>> -> memref<1x40x64xi32, #tpu.memory_space<hbm>>
        %dma_wait3A_72 = tpu.memref_squeeze %dma_wait3A_71 : memref<1x40x64xi32, #tpu.memory_space<hbm>> -> memref<40x64xi32, #tpu.memory_space<hbm>>
        %dma_wait3A_73 = arith.constant 0 : i32
        %dma_wait3A_74 = tpu.memref_slice %arg4[%add3A, %mul3A_11, %dma_wait3A_73] : memref<32x160x64xi32, #tpu.memory_space<hbm>> -> memref<1x40x64xi32, #tpu.memory_space<hbm>>
        %dma_wait3A_75 = tpu.memref_squeeze %dma_wait3A_74 : memref<1x40x64xi32, #tpu.memory_space<hbm>> -> memref<40x64xi32, #tpu.memory_space<hbm>>
        tpu.wait_dma2 semaphore(%run_scoped3A : memref<!tpu.dma_semaphore, #tpu.memory_space<semaphore_mem>>) src(%dma_wait3A_75 : memref<40x64xi32, #tpu.memory_space<hbm>>) dst(%arg7 : memref<40x64xi32, #tpu.memory_space<vmem>>)
        tpu.yield
      }) : () -> ()
      %dma_start3A = arith.constant 0 : i32
      %dma_start3A_12 = arith.constant 0 : i32
      %dma_start3A_13 = arith.constant 0 : i32
      %dma_start3A_14 = arith.constant 0 : i32
      %dma_start3A_15 = tpu.memref_slice %arg8[%dma_start3A_12, %dma_start3A_13, %dma_start3A_14] : memref<4x64x128xf32, #tpu.memory_space<vmem>> -> memref<1x64x128xf32, #tpu.memory_space<vmem>>
      %dma_start3A_16 = tpu.memref_squeeze %dma_start3A_15 : memref<1x64x128xf32, #tpu.memory_space<vmem>> -> memref<64x128xf32, #tpu.memory_space<vmem>>
      %dma_start3A_17 = arith.constant 0 : i32
      %dma_start3A_18 = tpu.memref_slice %arg6[%dma_start3A, %dma_start3A_17] : memref<40x64xi32, #tpu.memory_space<vmem>> -> memref<1x64xi32, #tpu.memory_space<vmem>>
      %dma_start3A_19 = tpu.memref_squeeze %dma_start3A_18 : memref<1x64xi32, #tpu.memory_space<vmem>> -> memref<64xi32, #tpu.memory_space<vmem>>
      %dma_start3A_20 = arith.constant 0 : i32
      %dma_start3A_21 = arith.constant 0 : i32
      %dma_start3A_22 = tpu.memref_slice %arg2[%dma_start3A_20, %dma_start3A_21] : memref<10240x128xf32, #tpu.memory_space<hbm>> -> memref<10240x128xf32, #tpu.memory_space<hbm>>
      tpu.enqueue_indirect_dma source(%dma_start3A_22 : memref<10240x128xf32, #tpu.memory_space<hbm>>) target(%dma_start3A_16 : memref<64x128xf32, #tpu.memory_space<vmem>>) offsets(%dma_start3A_19 : memref<64xi32, #tpu.memory_space<vmem>>) semaphore(%arg10 : memref<!tpu.dma_semaphore, #tpu.memory_space<semaphore_mem>>)
      %dma_start3A_23 = arith.constant 1 : i32
      %dma_start3A_24 = arith.constant 1 : i32
      %dma_start3A_25 = arith.constant 0 : i32
      %dma_start3A_26 = arith.constant 0 : i32
      %dma_start3A_27 = tpu.memref_slice %arg8[%dma_start3A_24, %dma_start3A_25, %dma_start3A_26] : memref<4x64x128xf32, #tpu.memory_space<vmem>> -> memref<1x64x128xf32, #tpu.memory_space<vmem>>
      %dma_start3A_28 = tpu.memref_squeeze %dma_start3A_27 : memref<1x64x128xf32, #tpu.memory_space<vmem>> -> memref<64x128xf32, #tpu.memory_space<vmem>>
      %dma_start3A_29 = arith.constant 0 : i32
      %dma_start3A_30 = tpu.memref_slice %arg6[%dma_start3A_23, %dma_start3A_29] : memref<40x64xi32, #tpu.memory_space<vmem>> -> memref<1x64xi32, #tpu.memory_space<vmem>>
      %dma_start3A_31 = tpu.memref_squeeze %dma_start3A_30 : memref<1x64xi32, #tpu.memory_space<vmem>> -> memref<64xi32, #tpu.memory_space<vmem>>
      %dma_start3A_32 = arith.constant 0 : i32
      %dma_start3A_33 = arith.constant 0 : i32
      %dma_start3A_34 = tpu.memref_slice %arg2[%dma_start3A_32, %dma_start3A_33] : memref<10240x128xf32, #tpu.memory_space<hbm>> -> memref<10240x128xf32, #tpu.memory_space<hbm>>
      tpu.enqueue_indirect_dma source(%dma_start3A_34 : memref<10240x128xf32, #tpu.memory_space<hbm>>) target(%dma_start3A_28 : memref<64x128xf32, #tpu.memory_space<vmem>>) offsets(%dma_start3A_31 : memref<64xi32, #tpu.memory_space<vmem>>) semaphore(%arg11 : memref<!tpu.dma_semaphore, #tpu.memory_space<semaphore_mem>>)
      %dma_start3A_35 = arith.constant 2 : i32
      %dma_start3A_36 = arith.constant 2 : i32
      %dma_start3A_37 = arith.constant 0 : i32
      %dma_start3A_38 = arith.constant 0 : i32
      %dma_start3A_39 = tpu.memref_slice %arg8[%dma_start3A_36, %dma_start3A_37, %dma_start3A_38] : memref<4x64x128xf32, #tpu.memory_space<vmem>> -> memref<1x64x128xf32, #tpu.memory_space<vmem>>
      %dma_start3A_40 = tpu.memref_squeeze %dma_start3A_39 : memref<1x64x128xf32, #tpu.memory_space<vmem>> -> memref<64x128xf32, #tpu.memory_space<vmem>>
      %dma_start3A_41 = arith.constant 0 : i32
      %dma_start3A_42 = tpu.memref_slice %arg6[%dma_start3A_35, %dma_start3A_41] : memref<40x64xi32, #tpu.memory_space<vmem>> -> memref<1x64xi32, #tpu.memory_space<vmem>>
      %dma_start3A_43 = tpu.memref_squeeze %dma_start3A_42 : memref<1x64xi32, #tpu.memory_space<vmem>> -> memref<64xi32, #tpu.memory_space<vmem>>
      %dma_start3A_44 = arith.constant 0 : i32
      %dma_start3A_45 = arith.constant 0 : i32
      %dma_start3A_46 = tpu.memref_slice %arg2[%dma_start3A_44, %dma_start3A_45] : memref<10240x128xf32, #tpu.memory_space<hbm>> -> memref<10240x128xf32, #tpu.memory_space<hbm>>
      tpu.enqueue_indirect_dma source(%dma_start3A_46 : memref<10240x128xf32, #tpu.memory_space<hbm>>) target(%dma_start3A_40 : memref<64x128xf32, #tpu.memory_space<vmem>>) offsets(%dma_start3A_43 : memref<64xi32, #tpu.memory_space<vmem>>) semaphore(%arg12 : memref<!tpu.dma_semaphore, #tpu.memory_space<semaphore_mem>>)
      %dma_start3A_47 = arith.constant 3 : i32
      %dma_start3A_48 = arith.constant 3 : i32
      %dma_start3A_49 = arith.constant 0 : i32
      %dma_start3A_50 = arith.constant 0 : i32
      %dma_start3A_51 = tpu.memref_slice %arg8[%dma_start3A_48, %dma_start3A_49, %dma_start3A_50] : memref<4x64x128xf32, #tpu.memory_space<vmem>> -> memref<1x64x128xf32, #tpu.memory_space<vmem>>
      %dma_start3A_52 = tpu.memref_squeeze %dma_start3A_51 : memref<1x64x128xf32, #tpu.memory_space<vmem>> -> memref<64x128xf32, #tpu.memory_space<vmem>>
      %dma_start3A_53 = arith.constant 0 : i32
      %dma_start3A_54 = tpu.memref_slice %arg6[%dma_start3A_47, %dma_start3A_53] : memref<40x64xi32, #tpu.memory_space<vmem>> -> memref<1x64xi32, #tpu.memory_space<vmem>>
      %dma_start3A_55 = tpu.memref_squeeze %dma_start3A_54 : memref<1x64xi32, #tpu.memory_space<vmem>> -> memref<64xi32, #tpu.memory_space<vmem>>
      %dma_start3A_56 = arith.constant 0 : i32
      %dma_start3A_57 = arith.constant 0 : i32
      %dma_start3A_58 = tpu.memref_slice %arg2[%dma_start3A_56, %dma_start3A_57] : memref<10240x128xf32, #tpu.memory_space<hbm>> -> memref<10240x128xf32, #tpu.memory_space<hbm>>
      tpu.enqueue_indirect_dma source(%dma_start3A_58 : memref<10240x128xf32, #tpu.memory_space<hbm>>) target(%dma_start3A_52 : memref<64x128xf32, #tpu.memory_space<vmem>>) offsets(%dma_start3A_55 : memref<64xi32, #tpu.memory_space<vmem>>) semaphore(%arg13 : memref<!tpu.dma_semaphore, #tpu.memory_space<semaphore_mem>>)
      %scan3A_59 = arith.constant 0 : i32
      %scan3A_60 = arith.constant 0 : i32
      %scan3A_61 = arith.constant 10 : i32
      %scan3A_62 = arith.addi %scan3A_60, %scan3A_61 : i32
      %scan3A_63 = arith.constant 1 : i32
      scf.for %scan3A_65 = %scan3A_60 to %scan3A_62 step %scan3A_63  : i32 {
        %mul3A_66 = arith.constant 4 : i32
        %mul3A_67 = arith.muli %scan3A_65, %mul3A_66 : i32
        %add3A_68 = arith.constant 0 : i32
        %add3A_69 = arith.addi %mul3A_67, %add3A_68 : i32
        %dma_wait3A = arith.constant 0 : i32
        %dma_wait3A_70 = arith.constant 0 : i32
        %dma_wait3A_71 = arith.constant 0 : i32
        %dma_wait3A_72 = tpu.memref_slice %arg8[%dma_wait3A, %dma_wait3A_70, %dma_wait3A_71] : memref<4x64x128xf32, #tpu.memory_space<vmem>> -> memref<1x64x128xf32, #tpu.memory_space<vmem>>
        %dma_wait3A_73 = tpu.memref_squeeze %dma_wait3A_72 : memref<1x64x128xf32, #tpu.memory_space<vmem>> -> memref<64x128xf32, #tpu.memory_space<vmem>>
        %dma_wait3A_74 = arith.constant 0 : i32
        %dma_wait3A_75 = tpu.memref_slice %arg6[%add3A_69, %dma_wait3A_74] : memref<40x64xi32, #tpu.memory_space<vmem>> -> memref<1x64xi32, #tpu.memory_space<vmem>>
        %dma_wait3A_76 = tpu.memref_squeeze %dma_wait3A_75 : memref<1x64xi32, #tpu.memory_space<vmem>> -> memref<64xi32, #tpu.memory_space<vmem>>
        %dma_wait3A_77 = arith.constant 0 : i32
        %dma_wait3A_78 = arith.constant 0 : i32
        %dma_wait3A_79 = tpu.memref_slice %arg2[%dma_wait3A_77, %dma_wait3A_78] : memref<10240x128xf32, #tpu.memory_space<hbm>> -> memref<10240x128xf32, #tpu.memory_space<hbm>>
        tpu.wait_indirect_dma semaphore(%arg10 : memref<!tpu.dma_semaphore, #tpu.memory_space<semaphore_mem>>) src(%dma_wait3A_79 : memref<10240x128xf32, #tpu.memory_space<hbm>>) dst(%dma_wait3A_73 : memref<64x128xf32, #tpu.memory_space<vmem>>)
        %run_scoped3A = arith.constant 0 : i32
        "tpu.region"() ({
          %run_scoped3A_139 = tpu.sem_alloc : memref<!tpu.dma_semaphore, #tpu.memory_space<semaphore_mem>>
          %dma_start3A_140 = arith.constant 0 : i32
          %dma_start3A_141 = arith.constant 0 : i32
          %dma_start3A_142 = tpu.memref_slice %arg8[%run_scoped3A, %dma_start3A_140, %dma_start3A_141] : memref<4x64x128xf32, #tpu.memory_space<vmem>> -> memref<1x64x128xf32, #tpu.memory_space<vmem>>
          %dma_start3A_143 = tpu.memref_squeeze %dma_start3A_142 : memref<1x64x128xf32, #tpu.memory_space<vmem>> -> memref<64x128xf32, #tpu.memory_space<vmem>>
          %dma_start3A_144 = arith.constant 0 : i32
          %dma_start3A_145 = tpu.memref_slice %arg7[%add3A_69, %dma_start3A_144] : memref<40x64xi32, #tpu.memory_space<vmem>> -> memref<1x64xi32, #tpu.memory_space<vmem>>
          %dma_start3A_146 = tpu.memref_squeeze %dma_start3A_145 : memref<1x64xi32, #tpu.memory_space<vmem>> -> memref<64xi32, #tpu.memory_space<vmem>>
          %dma_start3A_147 = arith.constant 0 : i32
          %dma_start3A_148 = arith.constant 0 : i32
          %dma_start3A_149 = tpu.memref_slice %arg9[%dma_start3A_147, %dma_start3A_148] : memref<10240x128xf32, #tpu.memory_space<vmem_shared>> -> memref<10240x128xf32, #tpu.memory_space<vmem_shared>>
          tpu.enqueue_indirect_dma source(%dma_start3A_143 : memref<64x128xf32, #tpu.memory_space<vmem>>) target(%dma_start3A_149 : memref<10240x128xf32, #tpu.memory_space<vmem_shared>>) offsets(%dma_start3A_146 : memref<64xi32, #tpu.memory_space<vmem>>) semaphore(%run_scoped3A_139 : memref<!tpu.dma_semaphore, #tpu.memory_space<semaphore_mem>>) {add = true}
          %dma_wait3A_150 = arith.constant 0 : i32
          %dma_wait3A_151 = arith.constant 0 : i32
          %dma_wait3A_152 = tpu.memref_slice %arg8[%run_scoped3A, %dma_wait3A_150, %dma_wait3A_151] : memref<4x64x128xf32, #tpu.memory_space<vmem>> -> memref<1x64x128xf32, #tpu.memory_space<vmem>>
          %dma_wait3A_153 = tpu.memref_squeeze %dma_wait3A_152 : memref<1x64x128xf32, #tpu.memory_space<vmem>> -> memref<64x128xf32, #tpu.memory_space<vmem>>
          %dma_wait3A_154 = arith.constant 0 : i32
          %dma_wait3A_155 = tpu.memref_slice %arg7[%add3A_69, %dma_wait3A_154] : memref<40x64xi32, #tpu.memory_space<vmem>> -> memref<1x64xi32, #tpu.memory_space<vmem>>
          %dma_wait3A_156 = tpu.memref_squeeze %dma_wait3A_155 : memref<1x64xi32, #tpu.memory_space<vmem>> -> memref<64xi32, #tpu.memory_space<vmem>>
          %dma_wait3A_157 = arith.constant 0 : i32
          %dma_wait3A_158 = arith.constant 0 : i32
          %dma_wait3A_159 = tpu.memref_slice %arg9[%dma_wait3A_157, %dma_wait3A_158] : memref<10240x128xf32, #tpu.memory_space<vmem_shared>> -> memref<10240x128xf32, #tpu.memory_space<vmem_shared>>
          tpu.wait_indirect_dma semaphore(%run_scoped3A_139 : memref<!tpu.dma_semaphore, #tpu.memory_space<semaphore_mem>>) src(%dma_wait3A_153 : memref<64x128xf32, #tpu.memory_space<vmem>>) dst(%dma_wait3A_159 : memref<10240x128xf32, #tpu.memory_space<vmem_shared>>)
          tpu.yield
        }) : () -> ()
        %lt3A = arith.constant 9 : i32
        %lt3A_80 = arith.cmpi slt, %scan3A_65, %lt3A : i32
        %convert_element_type3A = arith.extui %lt3A_80 : i1 to i32
        %cond3A = arith.constant 0 : i32
        %cond3A_81 = arith.cmpi ne, %convert_element_type3A, %cond3A : i32
        scf.if %cond3A_81 {
          %add3A_139 = arith.constant 4 : i32
          %add3A_140 = arith.addi %add3A_69, %add3A_139 : i32
          %dma_start3A_141 = arith.constant 0 : i32
          %dma_start3A_142 = arith.constant 0 : i32
          %dma_start3A_143 = arith.constant 0 : i32
          %dma_start3A_144 = tpu.memref_slice %arg8[%dma_start3A_141, %dma_start3A_142, %dma_start3A_143] : memref<4x64x128xf32, #tpu.memory_space<vmem>> -> memref<1x64x128xf32, #tpu.memory_space<vmem>>
          %dma_start3A_145 = tpu.memref_squeeze %dma_start3A_144 : memref<1x64x128xf32, #tpu.memory_space<vmem>> -> memref<64x128xf32, #tpu.memory_space<vmem>>
          %dma_start3A_146 = arith.constant 0 : i32
          %dma_start3A_147 = tpu.memref_slice %arg6[%add3A_140, %dma_start3A_146] : memref<40x64xi32, #tpu.memory_space<vmem>> -> memref<1x64xi32, #tpu.memory_space<vmem>>
          %dma_start3A_148 = tpu.memref_squeeze %dma_start3A_147 : memref<1x64xi32, #tpu.memory_space<vmem>> -> memref<64xi32, #tpu.memory_space<vmem>>
          %dma_start3A_149 = arith.constant 0 : i32
          %dma_start3A_150 = arith.constant 0 : i32
          %dma_start3A_151 = tpu.memref_slice %arg2[%dma_start3A_149, %dma_start3A_150] : memref<10240x128xf32, #tpu.memory_space<hbm>> -> memref<10240x128xf32, #tpu.memory_space<hbm>>
          tpu.enqueue_indirect_dma source(%dma_start3A_151 : memref<10240x128xf32, #tpu.memory_space<hbm>>) target(%dma_start3A_145 : memref<64x128xf32, #tpu.memory_space<vmem>>) offsets(%dma_start3A_148 : memref<64xi32, #tpu.memory_space<vmem>>) semaphore(%arg10 : memref<!tpu.dma_semaphore, #tpu.memory_space<semaphore_mem>>)
        } else {
        }
        %add3A_82 = arith.constant 1 : i32
        %add3A_83 = arith.addi %mul3A_67, %add3A_82 : i32
        %dma_wait3A_84 = arith.constant 1 : i32
        %dma_wait3A_85 = arith.constant 0 : i32
        %dma_wait3A_86 = arith.constant 0 : i32
        %dma_wait3A_87 = tpu.memref_slice %arg8[%dma_wait3A_84, %dma_wait3A_85, %dma_wait3A_86] : memref<4x64x128xf32, #tpu.memory_space<vmem>> -> memref<1x64x128xf32, #tpu.memory_space<vmem>>
        %dma_wait3A_88 = tpu.memref_squeeze %dma_wait3A_87 : memref<1x64x128xf32, #tpu.memory_space<vmem>> -> memref<64x128xf32, #tpu.memory_space<vmem>>
        %dma_wait3A_89 = arith.constant 0 : i32
        %dma_wait3A_90 = tpu.memref_slice %arg6[%add3A_83, %dma_wait3A_89] : memref<40x64xi32, #tpu.memory_space<vmem>> -> memref<1x64xi32, #tpu.memory_space<vmem>>
        %dma_wait3A_91 = tpu.memref_squeeze %dma_wait3A_90 : memref<1x64xi32, #tpu.memory_space<vmem>> -> memref<64xi32, #tpu.memory_space<vmem>>
        %dma_wait3A_92 = arith.constant 0 : i32
        %dma_wait3A_93 = arith.constant 0 : i32
        %dma_wait3A_94 = tpu.memref_slice %arg2[%dma_wait3A_92, %dma_wait3A_93] : memref<10240x128xf32, #tpu.memory_space<hbm>> -> memref<10240x128xf32, #tpu.memory_space<hbm>>
        tpu.wait_indirect_dma semaphore(%arg11 : memref<!tpu.dma_semaphore, #tpu.memory_space<semaphore_mem>>) src(%dma_wait3A_94 : memref<10240x128xf32, #tpu.memory_space<hbm>>) dst(%dma_wait3A_88 : memref<64x128xf32, #tpu.memory_space<vmem>>)
        %run_scoped3A_95 = arith.constant 1 : i32
        "tpu.region"() ({
          %run_scoped3A_139 = tpu.sem_alloc : memref<!tpu.dma_semaphore, #tpu.memory_space<semaphore_mem>>
          %dma_start3A_140 = arith.constant 0 : i32
          %dma_start3A_141 = arith.constant 0 : i32
          %dma_start3A_142 = tpu.memref_slice %arg8[%run_scoped3A_95, %dma_start3A_140, %dma_start3A_141] : memref<4x64x128xf32, #tpu.memory_space<vmem>> -> memref<1x64x128xf32, #tpu.memory_space<vmem>>
          %dma_start3A_143 = tpu.memref_squeeze %dma_start3A_142 : memref<1x64x128xf32, #tpu.memory_space<vmem>> -> memref<64x128xf32, #tpu.memory_space<vmem>>
          %dma_start3A_144 = arith.constant 0 : i32
          %dma_start3A_145 = tpu.memref_slice %arg7[%add3A_83, %dma_start3A_144] : memref<40x64xi32, #tpu.memory_space<vmem>> -> memref<1x64xi32, #tpu.memory_space<vmem>>
          %dma_start3A_146 = tpu.memref_squeeze %dma_start3A_145 : memref<1x64xi32, #tpu.memory_space<vmem>> -> memref<64xi32, #tpu.memory_space<vmem>>
          %dma_start3A_147 = arith.constant 0 : i32
          %dma_start3A_148 = arith.constant 0 : i32
          %dma_start3A_149 = tpu.memref_slice %arg9[%dma_start3A_147, %dma_start3A_148] : memref<10240x128xf32, #tpu.memory_space<vmem_shared>> -> memref<10240x128xf32, #tpu.memory_space<vmem_shared>>
          tpu.enqueue_indirect_dma source(%dma_start3A_143 : memref<64x128xf32, #tpu.memory_space<vmem>>) target(%dma_start3A_149 : memref<10240x128xf32, #tpu.memory_space<vmem_shared>>) offsets(%dma_start3A_146 : memref<64xi32, #tpu.memory_space<vmem>>) semaphore(%run_scoped3A_139 : memref<!tpu.dma_semaphore, #tpu.memory_space<semaphore_mem>>) {add = true}
          %dma_wait3A_150 = arith.constant 0 : i32
          %dma_wait3A_151 = arith.constant 0 : i32
          %dma_wait3A_152 = tpu.memref_slice %arg8[%run_scoped3A_95, %dma_wait3A_150, %dma_wait3A_151] : memref<4x64x128xf32, #tpu.memory_space<vmem>> -> memref<1x64x128xf32, #tpu.memory_space<vmem>>
          %dma_wait3A_153 = tpu.memref_squeeze %dma_wait3A_152 : memref<1x64x128xf32, #tpu.memory_space<vmem>> -> memref<64x128xf32, #tpu.memory_space<vmem>>
          %dma_wait3A_154 = arith.constant 0 : i32
          %dma_wait3A_155 = tpu.memref_slice %arg7[%add3A_83, %dma_wait3A_154] : memref<40x64xi32, #tpu.memory_space<vmem>> -> memref<1x64xi32, #tpu.memory_space<vmem>>
          %dma_wait3A_156 = tpu.memref_squeeze %dma_wait3A_155 : memref<1x64xi32, #tpu.memory_space<vmem>> -> memref<64xi32, #tpu.memory_space<vmem>>
          %dma_wait3A_157 = arith.constant 0 : i32
          %dma_wait3A_158 = arith.constant 0 : i32
          %dma_wait3A_159 = tpu.memref_slice %arg9[%dma_wait3A_157, %dma_wait3A_158] : memref<10240x128xf32, #tpu.memory_space<vmem_shared>> -> memref<10240x128xf32, #tpu.memory_space<vmem_shared>>
          tpu.wait_indirect_dma semaphore(%run_scoped3A_139 : memref<!tpu.dma_semaphore, #tpu.memory_space<semaphore_mem>>) src(%dma_wait3A_153 : memref<64x128xf32, #tpu.memory_space<vmem>>) dst(%dma_wait3A_159 : memref<10240x128xf32, #tpu.memory_space<vmem_shared>>)
          tpu.yield
        }) : () -> ()
        %lt3A_96 = arith.constant 9 : i32
        %lt3A_97 = arith.cmpi slt, %scan3A_65, %lt3A_96 : i32
        %convert_element_type3A_98 = arith.extui %lt3A_97 : i1 to i32
        %cond3A_99 = arith.constant 0 : i32
        %cond3A_100 = arith.cmpi ne, %convert_element_type3A_98, %cond3A_99 : i32
        scf.if %cond3A_100 {
          %add3A_139 = arith.constant 4 : i32
          %add3A_140 = arith.addi %add3A_83, %add3A_139 : i32
          %dma_start3A_141 = arith.constant 1 : i32
          %dma_start3A_142 = arith.constant 0 : i32
          %dma_start3A_143 = arith.constant 0 : i32
          %dma_start3A_144 = tpu.memref_slice %arg8[%dma_start3A_141, %dma_start3A_142, %dma_start3A_143] : memref<4x64x128xf32, #tpu.memory_space<vmem>> -> memref<1x64x128xf32, #tpu.memory_space<vmem>>
          %dma_start3A_145 = tpu.memref_squeeze %dma_start3A_144 : memref<1x64x128xf32, #tpu.memory_space<vmem>> -> memref<64x128xf32, #tpu.memory_space<vmem>>
          %dma_start3A_146 = arith.constant 0 : i32
          %dma_start3A_147 = tpu.memref_slice %arg6[%add3A_140, %dma_start3A_146] : memref<40x64xi32, #tpu.memory_space<vmem>> -> memref<1x64xi32, #tpu.memory_space<vmem>>
          %dma_start3A_148 = tpu.memref_squeeze %dma_start3A_147 : memref<1x64xi32, #tpu.memory_space<vmem>> -> memref<64xi32, #tpu.memory_space<vmem>>
          %dma_start3A_149 = arith.constant 0 : i32
          %dma_start3A_150 = arith.constant 0 : i32
          %dma_start3A_151 = tpu.memref_slice %arg2[%dma_start3A_149, %dma_start3A_150] : memref<10240x128xf32, #tpu.memory_space<hbm>> -> memref<10240x128xf32, #tpu.memory_space<hbm>>
          tpu.enqueue_indirect_dma source(%dma_start3A_151 : memref<10240x128xf32, #tpu.memory_space<hbm>>) target(%dma_start3A_145 : memref<64x128xf32, #tpu.memory_space<vmem>>) offsets(%dma_start3A_148 : memref<64xi32, #tpu.memory_space<vmem>>) semaphore(%arg11 : memref<!tpu.dma_semaphore, #tpu.memory_space<semaphore_mem>>)
        } else {
        }
        %add3A_101 = arith.constant 2 : i32
        %add3A_102 = arith.addi %mul3A_67, %add3A_101 : i32
        %dma_wait3A_103 = arith.constant 2 : i32
        %dma_wait3A_104 = arith.constant 0 : i32
        %dma_wait3A_105 = arith.constant 0 : i32
        %dma_wait3A_106 = tpu.memref_slice %arg8[%dma_wait3A_103, %dma_wait3A_104, %dma_wait3A_105] : memref<4x64x128xf32, #tpu.memory_space<vmem>> -> memref<1x64x128xf32, #tpu.memory_space<vmem>>
        %dma_wait3A_107 = tpu.memref_squeeze %dma_wait3A_106 : memref<1x64x128xf32, #tpu.memory_space<vmem>> -> memref<64x128xf32, #tpu.memory_space<vmem>>
        %dma_wait3A_108 = arith.constant 0 : i32
        %dma_wait3A_109 = tpu.memref_slice %arg6[%add3A_102, %dma_wait3A_108] : memref<40x64xi32, #tpu.memory_space<vmem>> -> memref<1x64xi32, #tpu.memory_space<vmem>>
        %dma_wait3A_110 = tpu.memref_squeeze %dma_wait3A_109 : memref<1x64xi32, #tpu.memory_space<vmem>> -> memref<64xi32, #tpu.memory_space<vmem>>
        %dma_wait3A_111 = arith.constant 0 : i32
        %dma_wait3A_112 = arith.constant 0 : i32
        %dma_wait3A_113 = tpu.memref_slice %arg2[%dma_wait3A_111, %dma_wait3A_112] : memref<10240x128xf32, #tpu.memory_space<hbm>> -> memref<10240x128xf32, #tpu.memory_space<hbm>>
        tpu.wait_indirect_dma semaphore(%arg12 : memref<!tpu.dma_semaphore, #tpu.memory_space<semaphore_mem>>) src(%dma_wait3A_113 : memref<10240x128xf32, #tpu.memory_space<hbm>>) dst(%dma_wait3A_107 : memref<64x128xf32, #tpu.memory_space<vmem>>)
        %run_scoped3A_114 = arith.constant 2 : i32
        "tpu.region"() ({
          %run_scoped3A_139 = tpu.sem_alloc : memref<!tpu.dma_semaphore, #tpu.memory_space<semaphore_mem>>
          %dma_start3A_140 = arith.constant 0 : i32
          %dma_start3A_141 = arith.constant 0 : i32
          %dma_start3A_142 = tpu.memref_slice %arg8[%run_scoped3A_114, %dma_start3A_140, %dma_start3A_141] : memref<4x64x128xf32, #tpu.memory_space<vmem>> -> memref<1x64x128xf32, #tpu.memory_space<vmem>>
          %dma_start3A_143 = tpu.memref_squeeze %dma_start3A_142 : memref<1x64x128xf32, #tpu.memory_space<vmem>> -> memref<64x128xf32, #tpu.memory_space<vmem>>
          %dma_start3A_144 = arith.constant 0 : i32
          %dma_start3A_145 = tpu.memref_slice %arg7[%add3A_102, %dma_start3A_144] : memref<40x64xi32, #tpu.memory_space<vmem>> -> memref<1x64xi32, #tpu.memory_space<vmem>>
          %dma_start3A_146 = tpu.memref_squeeze %dma_start3A_145 : memref<1x64xi32, #tpu.memory_space<vmem>> -> memref<64xi32, #tpu.memory_space<vmem>>
          %dma_start3A_147 = arith.constant 0 : i32
          %dma_start3A_148 = arith.constant 0 : i32
          %dma_start3A_149 = tpu.memref_slice %arg9[%dma_start3A_147, %dma_start3A_148] : memref<10240x128xf32, #tpu.memory_space<vmem_shared>> -> memref<10240x128xf32, #tpu.memory_space<vmem_shared>>
          tpu.enqueue_indirect_dma source(%dma_start3A_143 : memref<64x128xf32, #tpu.memory_space<vmem>>) target(%dma_start3A_149 : memref<10240x128xf32, #tpu.memory_space<vmem_shared>>) offsets(%dma_start3A_146 : memref<64xi32, #tpu.memory_space<vmem>>) semaphore(%run_scoped3A_139 : memref<!tpu.dma_semaphore, #tpu.memory_space<semaphore_mem>>) {add = true}
          %dma_wait3A_150 = arith.constant 0 : i32
          %dma_wait3A_151 = arith.constant 0 : i32
          %dma_wait3A_152 = tpu.memref_slice %arg8[%run_scoped3A_114, %dma_wait3A_150, %dma_wait3A_151] : memref<4x64x128xf32, #tpu.memory_space<vmem>> -> memref<1x64x128xf32, #tpu.memory_space<vmem>>
          %dma_wait3A_153 = tpu.memref_squeeze %dma_wait3A_152 : memref<1x64x128xf32, #tpu.memory_space<vmem>> -> memref<64x128xf32, #tpu.memory_space<vmem>>
          %dma_wait3A_154 = arith.constant 0 : i32
          %dma_wait3A_155 = tpu.memref_slice %arg7[%add3A_102, %dma_wait3A_154] : memref<40x64xi32, #tpu.memory_space<vmem>> -> memref<1x64xi32, #tpu.memory_space<vmem>>
          %dma_wait3A_156 = tpu.memref_squeeze %dma_wait3A_155 : memref<1x64xi32, #tpu.memory_space<vmem>> -> memref<64xi32, #tpu.memory_space<vmem>>
          %dma_wait3A_157 = arith.constant 0 : i32
          %dma_wait3A_158 = arith.constant 0 : i32
          %dma_wait3A_159 = tpu.memref_slice %arg9[%dma_wait3A_157, %dma_wait3A_158] : memref<10240x128xf32, #tpu.memory_space<vmem_shared>> -> memref<10240x128xf32, #tpu.memory_space<vmem_shared>>
          tpu.wait_indirect_dma semaphore(%run_scoped3A_139 : memref<!tpu.dma_semaphore, #tpu.memory_space<semaphore_mem>>) src(%dma_wait3A_153 : memref<64x128xf32, #tpu.memory_space<vmem>>) dst(%dma_wait3A_159 : memref<10240x128xf32, #tpu.memory_space<vmem_shared>>)
          tpu.yield
        }) : () -> ()
        %lt3A_115 = arith.constant 9 : i32
        %lt3A_116 = arith.cmpi slt, %scan3A_65, %lt3A_115 : i32
        %convert_element_type3A_117 = arith.extui %lt3A_116 : i1 to i32
        %cond3A_118 = arith.constant 0 : i32
        %cond3A_119 = arith.cmpi ne, %convert_element_type3A_117, %cond3A_118 : i32
        scf.if %cond3A_119 {
          %add3A_139 = arith.constant 4 : i32
          %add3A_140 = arith.addi %add3A_102, %add3A_139 : i32
          %dma_start3A_141 = arith.constant 2 : i32
          %dma_start3A_142 = arith.constant 0 : i32
          %dma_start3A_143 = arith.constant 0 : i32
          %dma_start3A_144 = tpu.memref_slice %arg8[%dma_start3A_141, %dma_start3A_142, %dma_start3A_143] : memref<4x64x128xf32, #tpu.memory_space<vmem>> -> memref<1x64x128xf32, #tpu.memory_space<vmem>>
          %dma_start3A_145 = tpu.memref_squeeze %dma_start3A_144 : memref<1x64x128xf32, #tpu.memory_space<vmem>> -> memref<64x128xf32, #tpu.memory_space<vmem>>
          %dma_start3A_146 = arith.constant 0 : i32
          %dma_start3A_147 = tpu.memref_slice %arg6[%add3A_140, %dma_start3A_146] : memref<40x64xi32, #tpu.memory_space<vmem>> -> memref<1x64xi32, #tpu.memory_space<vmem>>
          %dma_start3A_148 = tpu.memref_squeeze %dma_start3A_147 : memref<1x64xi32, #tpu.memory_space<vmem>> -> memref<64xi32, #tpu.memory_space<vmem>>
          %dma_start3A_149 = arith.constant 0 : i32
          %dma_start3A_150 = arith.constant 0 : i32
          %dma_start3A_151 = tpu.memref_slice %arg2[%dma_start3A_149, %dma_start3A_150] : memref<10240x128xf32, #tpu.memory_space<hbm>> -> memref<10240x128xf32, #tpu.memory_space<hbm>>
          tpu.enqueue_indirect_dma source(%dma_start3A_151 : memref<10240x128xf32, #tpu.memory_space<hbm>>) target(%dma_start3A_145 : memref<64x128xf32, #tpu.memory_space<vmem>>) offsets(%dma_start3A_148 : memref<64xi32, #tpu.memory_space<vmem>>) semaphore(%arg12 : memref<!tpu.dma_semaphore, #tpu.memory_space<semaphore_mem>>)
        } else {
        }
        %add3A_120 = arith.constant 3 : i32
        %add3A_121 = arith.addi %mul3A_67, %add3A_120 : i32
        %dma_wait3A_122 = arith.constant 3 : i32
        %dma_wait3A_123 = arith.constant 0 : i32
        %dma_wait3A_124 = arith.constant 0 : i32
        %dma_wait3A_125 = tpu.memref_slice %arg8[%dma_wait3A_122, %dma_wait3A_123, %dma_wait3A_124] : memref<4x64x128xf32, #tpu.memory_space<vmem>> -> memref<1x64x128xf32, #tpu.memory_space<vmem>>
        %dma_wait3A_126 = tpu.memref_squeeze %dma_wait3A_125 : memref<1x64x128xf32, #tpu.memory_space<vmem>> -> memref<64x128xf32, #tpu.memory_space<vmem>>
        %dma_wait3A_127 = arith.constant 0 : i32
        %dma_wait3A_128 = tpu.memref_slice %arg6[%add3A_121, %dma_wait3A_127] : memref<40x64xi32, #tpu.memory_space<vmem>> -> memref<1x64xi32, #tpu.memory_space<vmem>>
        %dma_wait3A_129 = tpu.memref_squeeze %dma_wait3A_128 : memref<1x64xi32, #tpu.memory_space<vmem>> -> memref<64xi32, #tpu.memory_space<vmem>>
        %dma_wait3A_130 = arith.constant 0 : i32
        %dma_wait3A_131 = arith.constant 0 : i32
        %dma_wait3A_132 = tpu.memref_slice %arg2[%dma_wait3A_130, %dma_wait3A_131] : memref<10240x128xf32, #tpu.memory_space<hbm>> -> memref<10240x128xf32, #tpu.memory_space<hbm>>
        tpu.wait_indirect_dma semaphore(%arg13 : memref<!tpu.dma_semaphore, #tpu.memory_space<semaphore_mem>>) src(%dma_wait3A_132 : memref<10240x128xf32, #tpu.memory_space<hbm>>) dst(%dma_wait3A_126 : memref<64x128xf32, #tpu.memory_space<vmem>>)
        %run_scoped3A_133 = arith.constant 3 : i32
        "tpu.region"() ({
          %run_scoped3A_139 = tpu.sem_alloc : memref<!tpu.dma_semaphore, #tpu.memory_space<semaphore_mem>>
          %dma_start3A_140 = arith.constant 0 : i32
          %dma_start3A_141 = arith.constant 0 : i32
          %dma_start3A_142 = tpu.memref_slice %arg8[%run_scoped3A_133, %dma_start3A_140, %dma_start3A_141] : memref<4x64x128xf32, #tpu.memory_space<vmem>> -> memref<1x64x128xf32, #tpu.memory_space<vmem>>
          %dma_start3A_143 = tpu.memref_squeeze %dma_start3A_142 : memref<1x64x128xf32, #tpu.memory_space<vmem>> -> memref<64x128xf32, #tpu.memory_space<vmem>>
          %dma_start3A_144 = arith.constant 0 : i32
          %dma_start3A_145 = tpu.memref_slice %arg7[%add3A_121, %dma_start3A_144] : memref<40x64xi32, #tpu.memory_space<vmem>> -> memref<1x64xi32, #tpu.memory_space<vmem>>
          %dma_start3A_146 = tpu.memref_squeeze %dma_start3A_145 : memref<1x64xi32, #tpu.memory_space<vmem>> -> memref<64xi32, #tpu.memory_space<vmem>>
          %dma_start3A_147 = arith.constant 0 : i32
          %dma_start3A_148 = arith.constant 0 : i32
          %dma_start3A_149 = tpu.memref_slice %arg9[%dma_start3A_147, %dma_start3A_148] : memref<10240x128xf32, #tpu.memory_space<vmem_shared>> -> memref<10240x128xf32, #tpu.memory_space<vmem_shared>>
          tpu.enqueue_indirect_dma source(%dma_start3A_143 : memref<64x128xf32, #tpu.memory_space<vmem>>) target(%dma_start3A_149 : memref<10240x128xf32, #tpu.memory_space<vmem_shared>>) offsets(%dma_start3A_146 : memref<64xi32, #tpu.memory_space<vmem>>) semaphore(%run_scoped3A_139 : memref<!tpu.dma_semaphore, #tpu.memory_space<semaphore_mem>>) {add = true}
          %dma_wait3A_150 = arith.constant 0 : i32
          %dma_wait3A_151 = arith.constant 0 : i32
          %dma_wait3A_152 = tpu.memref_slice %arg8[%run_scoped3A_133, %dma_wait3A_150, %dma_wait3A_151] : memref<4x64x128xf32, #tpu.memory_space<vmem>> -> memref<1x64x128xf32, #tpu.memory_space<vmem>>
          %dma_wait3A_153 = tpu.memref_squeeze %dma_wait3A_152 : memref<1x64x128xf32, #tpu.memory_space<vmem>> -> memref<64x128xf32, #tpu.memory_space<vmem>>
          %dma_wait3A_154 = arith.constant 0 : i32
          %dma_wait3A_155 = tpu.memref_slice %arg7[%add3A_121, %dma_wait3A_154] : memref<40x64xi32, #tpu.memory_space<vmem>> -> memref<1x64xi32, #tpu.memory_space<vmem>>
          %dma_wait3A_156 = tpu.memref_squeeze %dma_wait3A_155 : memref<1x64xi32, #tpu.memory_space<vmem>> -> memref<64xi32, #tpu.memory_space<vmem>>
          %dma_wait3A_157 = arith.constant 0 : i32
          %dma_wait3A_158 = arith.constant 0 : i32
          %dma_wait3A_159 = tpu.memref_slice %arg9[%dma_wait3A_157, %dma_wait3A_158] : memref<10240x128xf32, #tpu.memory_space<vmem_shared>> -> memref<10240x128xf32, #tpu.memory_space<vmem_shared>>
          tpu.wait_indirect_dma semaphore(%run_scoped3A_139 : memref<!tpu.dma_semaphore, #tpu.memory_space<semaphore_mem>>) src(%dma_wait3A_153 : memref<64x128xf32, #tpu.memory_space<vmem>>) dst(%dma_wait3A_159 : memref<10240x128xf32, #tpu.memory_space<vmem_shared>>)
          tpu.yield
        }) : () -> ()
        %lt3A_134 = arith.constant 9 : i32
        %lt3A_135 = arith.cmpi slt, %scan3A_65, %lt3A_134 : i32
        %convert_element_type3A_136 = arith.extui %lt3A_135 : i1 to i32
        %cond3A_137 = arith.constant 0 : i32
        %cond3A_138 = arith.cmpi ne, %convert_element_type3A_136, %cond3A_137 : i32
        scf.if %cond3A_138 {
          %add3A_139 = arith.constant 4 : i32
          %add3A_140 = arith.addi %add3A_121, %add3A_139 : i32
          %dma_start3A_141 = arith.constant 3 : i32
          %dma_start3A_142 = arith.constant 0 : i32
          %dma_start3A_143 = arith.constant 0 : i32
          %dma_start3A_144 = tpu.memref_slice %arg8[%dma_start3A_141, %dma_start3A_142, %dma_start3A_143] : memref<4x64x128xf32, #tpu.memory_space<vmem>> -> memref<1x64x128xf32, #tpu.memory_space<vmem>>
          %dma_start3A_145 = tpu.memref_squeeze %dma_start3A_144 : memref<1x64x128xf32, #tpu.memory_space<vmem>> -> memref<64x128xf32, #tpu.memory_space<vmem>>
          %dma_start3A_146 = arith.constant 0 : i32
          %dma_start3A_147 = tpu.memref_slice %arg6[%add3A_140, %dma_start3A_146] : memref<40x64xi32, #tpu.memory_space<vmem>> -> memref<1x64xi32, #tpu.memory_space<vmem>>
          %dma_start3A_148 = tpu.memref_squeeze %dma_start3A_147 : memref<1x64xi32, #tpu.memory_space<vmem>> -> memref<64xi32, #tpu.memory_space<vmem>>
          %dma_start3A_149 = arith.constant 0 : i32
          %dma_start3A_150 = arith.constant 0 : i32
          %dma_start3A_151 = tpu.memref_slice %arg2[%dma_start3A_149, %dma_start3A_150] : memref<10240x128xf32, #tpu.memory_space<hbm>> -> memref<10240x128xf32, #tpu.memory_space<hbm>>
          tpu.enqueue_indirect_dma source(%dma_start3A_151 : memref<10240x128xf32, #tpu.memory_space<hbm>>) target(%dma_start3A_145 : memref<64x128xf32, #tpu.memory_space<vmem>>) offsets(%dma_start3A_148 : memref<64xi32, #tpu.memory_space<vmem>>) semaphore(%arg13 : memref<!tpu.dma_semaphore, #tpu.memory_space<semaphore_mem>>)
        } else {
        }
      }
      %scan3A_64 = arith.constant 10 : i32
    }
    %scan3A_7 = arith.constant 4 : i32
    %barrier3A_8 = arith.constant 0 : index
    tpu.barrier barrier_id(%barrier3A_8)
    "tpu.region"() ({
      %run_scoped3A = tpu.sem_alloc : memref<!tpu.dma_semaphore, #tpu.memory_space<semaphore_mem>>
      %dma_start3A = arith.constant 0 : i32
      %dma_start3A_9 = tpu.memref_slice %arg5[%arg0, %mul3A_2, %dma_start3A] : memref<2x10240x128xf32, #tpu.memory_space<hbm>> -> memref<1x640x128xf32, #tpu.memory_space<hbm>>
      %dma_start3A_10 = tpu.memref_squeeze %dma_start3A_9 : memref<1x640x128xf32, #tpu.memory_space<hbm>> -> memref<640x128xf32, #tpu.memory_space<hbm>>
      %dma_start3A_11 = arith.constant 0 : i32
      %dma_start3A_12 = tpu.memref_slice %arg9[%mul3A_2, %dma_start3A_11] : memref<10240x128xf32, #tpu.memory_space<vmem_shared>> -> memref<640x128xf32, #tpu.memory_space<vmem_shared>>
      tpu.enqueue_dma source(%dma_start3A_12 : memref<640x128xf32, #tpu.memory_space<vmem_shared>>) target(%dma_start3A_10 : memref<640x128xf32, #tpu.memory_space<hbm>>) target_semaphore(%run_scoped3A : memref<!tpu.dma_semaphore, #tpu.memory_space<semaphore_mem>>)
      %dma_wait3A = arith.constant 0 : i32
      %dma_wait3A_13 = tpu.memref_slice %arg5[%arg0, %mul3A_2, %dma_wait3A] : memref<2x10240x128xf32, #tpu.memory_space<hbm>> -> memref<1x640x128xf32, #tpu.memory_space<hbm>>
      %dma_wait3A_14 = tpu.memref_squeeze %dma_wait3A_13 : memref<1x640x128xf32, #tpu.memory_space<hbm>> -> memref<640x128xf32, #tpu.memory_space<hbm>>
      %dma_wait3A_15 = arith.constant 0 : i32
      %dma_wait3A_16 = tpu.memref_slice %arg9[%mul3A_2, %dma_wait3A_15] : memref<10240x128xf32, #tpu.memory_space<vmem_shared>> -> memref<640x128xf32, #tpu.memory_space<vmem_shared>>
      tpu.wait_dma2 semaphore(%run_scoped3A : memref<!tpu.dma_semaphore, #tpu.memory_space<semaphore_mem>>) src(%dma_wait3A_16 : memref<640x128xf32, #tpu.memory_space<vmem_shared>>) dst(%dma_wait3A_14 : memref<640x128xf32, #tpu.memory_space<hbm>>)
      tpu.yield
    }) : () -> ()
    return
  }
}

#map = affine_map<(d0, d1) -> (0, 0)>
#map1 = affine_map<(d0, d1) -> (0, 0, 0)>
module attributes {stable_mosaic.version = 14 : i64} {
  func.func @spmm_kernel(%arg0: i32, %arg1: i32, %arg2: memref<10240x128xf32, #tpu.memory_space<hbm>>, %arg3: memref<32x160x64xi32, #tpu.memory_space<hbm>>, %arg4: memref<32x160x64xi32, #tpu.memory_space<hbm>>, %arg5: memref<2x10240x128xf32, #tpu.memory_space<hbm>>, %arg6: memref<40x64xi32, #tpu.memory_space<vmem>>, %arg7: memref<40x64xi32, #tpu.memory_space<vmem>>, %arg8: memref<4x64x128xf32, #tpu.memory_space<vmem>>, %arg9: memref<10240x128xf32, #tpu.memory_space<vmem_shared>>, %arg10: memref<!tpu.dma_semaphore, #tpu.memory_space<semaphore_mem>>, %arg11: memref<!tpu.dma_semaphore, #tpu.memory_space<semaphore_mem>>, %arg12: memref<!tpu.dma_semaphore, #tpu.memory_space<semaphore_mem>>, %arg13: memref<!tpu.dma_semaphore, #tpu.memory_space<semaphore_mem>>) attributes {dimension_semantics = [#tpu.dimension_semantics<core_parallel>, #tpu.dimension_semantics<subcore_parallel>], iteration_bounds = array<i64: 2, 16>, scalar_prefetch = 0 : i64, scratch_operands = 8 : i64, tpu.core_type = #tpu.core_type<sc_vector_subcore>, window_params = [{transform_indices = #map}, {transform_indices = #map1}, {transform_indices = #map1}, {transform_indices = #map1}]} {
    %mul3A = arith.constant 16 : i32
    %mul3A_0 = arith.muli %arg0, %mul3A : i32
    %add3A = arith.addi %mul3A_0, %arg1 : i32
    %mul3A_1 = arith.constant 640 : i32
    %mul3A_2 = arith.muli %arg1, %mul3A_1 : i32
    "tpu.region"() ({
      %run_scoped3A = tpu.sem_alloc : memref<!tpu.dma_semaphore, #tpu.memory_space<semaphore_mem>>
      %dma_start3A = arith.constant 0 : i32
      %dma_start3A_9 = tpu.memref_slice %arg9[%mul3A_2, %dma_start3A] : memref<10240x128xf32, #tpu.memory_space<vmem_shared>> -> memref<640x128xf32, #tpu.memory_space<vmem_shared>>
      %dma_start3A_10 = arith.constant 0 : i32
      %dma_start3A_11 = tpu.memref_slice %arg2[%mul3A_2, %dma_start3A_10] : memref<10240x128xf32, #tpu.memory_space<hbm>> -> memref<640x128xf32, #tpu.memory_space<hbm>>
      tpu.enqueue_dma source(%dma_start3A_11 : memref<640x128xf32, #tpu.memory_space<hbm>>) target(%dma_start3A_9 : memref<640x128xf32, #tpu.memory_space<vmem_shared>>) target_semaphore(%run_scoped3A : memref<!tpu.dma_semaphore, #tpu.memory_space<semaphore_mem>>)
      %dma_wait3A = arith.constant 0 : i32
      %dma_wait3A_12 = tpu.memref_slice %arg9[%mul3A_2, %dma_wait3A] : memref<10240x128xf32, #tpu.memory_space<vmem_shared>> -> memref<640x128xf32, #tpu.memory_space<vmem_shared>>
      %dma_wait3A_13 = arith.constant 0 : i32
      %dma_wait3A_14 = tpu.memref_slice %arg2[%mul3A_2, %dma_wait3A_13] : memref<10240x128xf32, #tpu.memory_space<hbm>> -> memref<640x128xf32, #tpu.memory_space<hbm>>
      tpu.wait_dma2 semaphore(%run_scoped3A : memref<!tpu.dma_semaphore, #tpu.memory_space<semaphore_mem>>) src(%dma_wait3A_14 : memref<640x128xf32, #tpu.memory_space<hbm>>) dst(%dma_wait3A_12 : memref<640x128xf32, #tpu.memory_space<vmem_shared>>)
      tpu.yield
    }) : () -> ()
    %barrier3A = arith.constant 0 : index
    tpu.barrier barrier_id(%barrier3A)
    %scan3A = arith.constant 0 : i32
    %scan3A_3 = arith.constant 0 : i32
    %scan3A_4 = arith.constant 4 : i32
    %scan3A_5 = arith.addi %scan3A_3, %scan3A_4 : i32
    %scan3A_6 = arith.constant 1 : i32
    scf.for %scan3A_9 = %scan3A_3 to %scan3A_5 step %scan3A_6  : i32 {
      %mul3A_10 = arith.constant 40 : i32
      %mul3A_11 = arith.muli %scan3A_9, %mul3A_10 : i32
      "tpu.region"() ({
        %run_scoped3A = tpu.sem_alloc : memref<!tpu.dma_semaphore, #tpu.memory_space<semaphore_mem>>
        %dma_start3A_65 = arith.constant 0 : i32
        %dma_start3A_66 = tpu.memref_slice %arg3[%add3A, %mul3A_11, %dma_start3A_65] : memref<32x160x64xi32, #tpu.memory_space<hbm>> -> memref<1x40x64xi32, #tpu.memory_space<hbm>>
        %dma_start3A_67 = tpu.memref_squeeze %dma_start3A_66 : memref<1x40x64xi32, #tpu.memory_space<hbm>> -> memref<40x64xi32, #tpu.memory_space<hbm>>
        %dma_start3A_68 = arith.constant 0 : i32
        %dma_start3A_69 = tpu.memref_slice %arg3[%add3A, %mul3A_11, %dma_start3A_68] : memref<32x160x64xi32, #tpu.memory_space<hbm>> -> memref<1x40x64xi32, #tpu.memory_space<hbm>>
        %dma_start3A_70 = tpu.memref_squeeze %dma_start3A_69 : memref<1x40x64xi32, #tpu.memory_space<hbm>> -> memref<40x64xi32, #tpu.memory_space<hbm>>
        tpu.enqueue_dma source(%dma_start3A_70 : memref<40x64xi32, #tpu.memory_space<hbm>>) target(%arg6 : memref<40x64xi32, #tpu.memory_space<vmem>>) target_semaphore(%run_scoped3A : memref<!tpu.dma_semaphore, #tpu.memory_space<semaphore_mem>>)
        %dma_wait3A = arith.constant 0 : i32
        %dma_wait3A_71 = tpu.memref_slice %arg3[%add3A, %mul3A_11, %dma_wait3A] : memref<32x160x64xi32, #tpu.memory_space<hbm>> -> memref<1x40x64xi32, #tpu.memory_space<hbm>>
        %dma_wait3A_72 = tpu.memref_squeeze %dma_wait3A_71 : memref<1x40x64xi32, #tpu.memory_space<hbm>> -> memref<40x64xi32, #tpu.memory_space<hbm>>
        %dma_wait3A_73 = arith.constant 0 : i32
        %dma_wait3A_74 = tpu.memref_slice %arg3[%add3A, %mul3A_11, %dma_wait3A_73] : memref<32x160x64xi32, #tpu.memory_space<hbm>> -> memref<1x40x64xi32, #tpu.memory_space<hbm>>
        %dma_wait3A_75 = tpu.memref_squeeze %dma_wait3A_74 : memref<1x40x64xi32, #tpu.memory_space<hbm>> -> memref<40x64xi32, #tpu.memory_space<hbm>>
        tpu.wait_dma2 semaphore(%run_scoped3A : memref<!tpu.dma_semaphore, #tpu.memory_space<semaphore_mem>>) src(%dma_wait3A_75 : memref<40x64xi32, #tpu.memory_space<hbm>>) dst(%arg6 : memref<40x64xi32, #tpu.memory_space<vmem>>)
        tpu.yield
      }) : () -> ()
      "tpu.region"() ({
        %run_scoped3A = tpu.sem_alloc : memref<!tpu.dma_semaphore, #tpu.memory_space<semaphore_mem>>
        %dma_start3A_65 = arith.constant 0 : i32
        %dma_start3A_66 = tpu.memref_slice %arg4[%add3A, %mul3A_11, %dma_start3A_65] : memref<32x160x64xi32, #tpu.memory_space<hbm>> -> memref<1x40x64xi32, #tpu.memory_space<hbm>>
        %dma_start3A_67 = tpu.memref_squeeze %dma_start3A_66 : memref<1x40x64xi32, #tpu.memory_space<hbm>> -> memref<40x64xi32, #tpu.memory_space<hbm>>
        %dma_start3A_68 = arith.constant 0 : i32
        %dma_start3A_69 = tpu.memref_slice %arg4[%add3A, %mul3A_11, %dma_start3A_68] : memref<32x160x64xi32, #tpu.memory_space<hbm>> -> memref<1x40x64xi32, #tpu.memory_space<hbm>>
        %dma_start3A_70 = tpu.memref_squeeze %dma_start3A_69 : memref<1x40x64xi32, #tpu.memory_space<hbm>> -> memref<40x64xi32, #tpu.memory_space<hbm>>
        tpu.enqueue_dma source(%dma_start3A_70 : memref<40x64xi32, #tpu.memory_space<hbm>>) target(%arg7 : memref<40x64xi32, #tpu.memory_space<vmem>>) target_semaphore(%run_scoped3A : memref<!tpu.dma_semaphore, #tpu.memory_space<semaphore_mem>>)
        %dma_wait3A = arith.constant 0 : i32
        %dma_wait3A_71 = tpu.memref_slice %arg4[%add3A, %mul3A_11, %dma_wait3A] : memref<32x160x64xi32, #tpu.memory_space<hbm>> -> memref<1x40x64xi32, #tpu.memory_space<hbm>>
        %dma_wait3A_72 = tpu.memref_squeeze %dma_wait3A_71 : memref<1x40x64xi32, #tpu.memory_space<hbm>> -> memref<40x64xi32, #tpu.memory_space<hbm>>
        %dma_wait3A_73 = arith.constant 0 : i32
        %dma_wait3A_74 = tpu.memref_slice %arg4[%add3A, %mul3A_11, %dma_wait3A_73] : memref<32x160x64xi32, #tpu.memory_space<hbm>> -> memref<1x40x64xi32, #tpu.memory_space<hbm>>
        %dma_wait3A_75 = tpu.memref_squeeze %dma_wait3A_74 : memref<1x40x64xi32, #tpu.memory_space<hbm>> -> memref<40x64xi32, #tpu.memory_space<hbm>>
        tpu.wait_dma2 semaphore(%run_scoped3A : memref<!tpu.dma_semaphore, #tpu.memory_space<semaphore_mem>>) src(%dma_wait3A_75 : memref<40x64xi32, #tpu.memory_space<hbm>>) dst(%arg7 : memref<40x64xi32, #tpu.memory_space<vmem>>)
        tpu.yield
      }) : () -> ()
      %dma_start3A = arith.constant 0 : i32
      %dma_start3A_12 = arith.constant 0 : i32
      %dma_start3A_13 = arith.constant 0 : i32
      %dma_start3A_14 = arith.constant 0 : i32
      %dma_start3A_15 = tpu.memref_slice %arg8[%dma_start3A_12, %dma_start3A_13, %dma_start3A_14] : memref<4x64x128xf32, #tpu.memory_space<vmem>> -> memref<1x64x128xf32, #tpu.memory_space<vmem>>
      %dma_start3A_16 = tpu.memref_squeeze %dma_start3A_15 : memref<1x64x128xf32, #tpu.memory_space<vmem>> -> memref<64x128xf32, #tpu.memory_space<vmem>>
      %dma_start3A_17 = arith.constant 0 : i32
      %dma_start3A_18 = tpu.memref_slice %arg6[%dma_start3A, %dma_start3A_17] : memref<40x64xi32, #tpu.memory_space<vmem>> -> memref<1x64xi32, #tpu.memory_space<vmem>>
      %dma_start3A_19 = tpu.memref_squeeze %dma_start3A_18 : memref<1x64xi32, #tpu.memory_space<vmem>> -> memref<64xi32, #tpu.memory_space<vmem>>
      %dma_start3A_20 = arith.constant 0 : i32
      %dma_start3A_21 = arith.constant 0 : i32
      %dma_start3A_22 = tpu.memref_slice %arg2[%dma_start3A_20, %dma_start3A_21] : memref<10240x128xf32, #tpu.memory_space<hbm>> -> memref<10240x128xf32, #tpu.memory_space<hbm>>
      tpu.enqueue_indirect_dma source(%dma_start3A_22 : memref<10240x128xf32, #tpu.memory_space<hbm>>) target(%dma_start3A_16 : memref<64x128xf32, #tpu.memory_space<vmem>>) offsets(%dma_start3A_19 : memref<64xi32, #tpu.memory_space<vmem>>) semaphore(%arg10 : memref<!tpu.dma_semaphore, #tpu.memory_space<semaphore_mem>>)
      %dma_start3A_23 = arith.constant 1 : i32
      %dma_start3A_24 = arith.constant 1 : i32
      %dma_start3A_25 = arith.constant 0 : i32
      %dma_start3A_26 = arith.constant 0 : i32
      %dma_start3A_27 = tpu.memref_slice %arg8[%dma_start3A_24, %dma_start3A_25, %dma_start3A_26] : memref<4x64x128xf32, #tpu.memory_space<vmem>> -> memref<1x64x128xf32, #tpu.memory_space<vmem>>
      %dma_start3A_28 = tpu.memref_squeeze %dma_start3A_27 : memref<1x64x128xf32, #tpu.memory_space<vmem>> -> memref<64x128xf32, #tpu.memory_space<vmem>>
      %dma_start3A_29 = arith.constant 0 : i32
      %dma_start3A_30 = tpu.memref_slice %arg6[%dma_start3A_23, %dma_start3A_29] : memref<40x64xi32, #tpu.memory_space<vmem>> -> memref<1x64xi32, #tpu.memory_space<vmem>>
      %dma_start3A_31 = tpu.memref_squeeze %dma_start3A_30 : memref<1x64xi32, #tpu.memory_space<vmem>> -> memref<64xi32, #tpu.memory_space<vmem>>
      %dma_start3A_32 = arith.constant 0 : i32
      %dma_start3A_33 = arith.constant 0 : i32
      %dma_start3A_34 = tpu.memref_slice %arg2[%dma_start3A_32, %dma_start3A_33] : memref<10240x128xf32, #tpu.memory_space<hbm>> -> memref<10240x128xf32, #tpu.memory_space<hbm>>
      tpu.enqueue_indirect_dma source(%dma_start3A_34 : memref<10240x128xf32, #tpu.memory_space<hbm>>) target(%dma_start3A_28 : memref<64x128xf32, #tpu.memory_space<vmem>>) offsets(%dma_start3A_31 : memref<64xi32, #tpu.memory_space<vmem>>) semaphore(%arg11 : memref<!tpu.dma_semaphore, #tpu.memory_space<semaphore_mem>>)
      %dma_start3A_35 = arith.constant 2 : i32
      %dma_start3A_36 = arith.constant 2 : i32
      %dma_start3A_37 = arith.constant 0 : i32
      %dma_start3A_38 = arith.constant 0 : i32
      %dma_start3A_39 = tpu.memref_slice %arg8[%dma_start3A_36, %dma_start3A_37, %dma_start3A_38] : memref<4x64x128xf32, #tpu.memory_space<vmem>> -> memref<1x64x128xf32, #tpu.memory_space<vmem>>
      %dma_start3A_40 = tpu.memref_squeeze %dma_start3A_39 : memref<1x64x128xf32, #tpu.memory_space<vmem>> -> memref<64x128xf32, #tpu.memory_space<vmem>>
      %dma_start3A_41 = arith.constant 0 : i32
      %dma_start3A_42 = tpu.memref_slice %arg6[%dma_start3A_35, %dma_start3A_41] : memref<40x64xi32, #tpu.memory_space<vmem>> -> memref<1x64xi32, #tpu.memory_space<vmem>>
      %dma_start3A_43 = tpu.memref_squeeze %dma_start3A_42 : memref<1x64xi32, #tpu.memory_space<vmem>> -> memref<64xi32, #tpu.memory_space<vmem>>
      %dma_start3A_44 = arith.constant 0 : i32
      %dma_start3A_45 = arith.constant 0 : i32
      %dma_start3A_46 = tpu.memref_slice %arg2[%dma_start3A_44, %dma_start3A_45] : memref<10240x128xf32, #tpu.memory_space<hbm>> -> memref<10240x128xf32, #tpu.memory_space<hbm>>
      tpu.enqueue_indirect_dma source(%dma_start3A_46 : memref<10240x128xf32, #tpu.memory_space<hbm>>) target(%dma_start3A_40 : memref<64x128xf32, #tpu.memory_space<vmem>>) offsets(%dma_start3A_43 : memref<64xi32, #tpu.memory_space<vmem>>) semaphore(%arg12 : memref<!tpu.dma_semaphore, #tpu.memory_space<semaphore_mem>>)
      %dma_start3A_47 = arith.constant 3 : i32
      %dma_start3A_48 = arith.constant 3 : i32
      %dma_start3A_49 = arith.constant 0 : i32
      %dma_start3A_50 = arith.constant 0 : i32
      %dma_start3A_51 = tpu.memref_slice %arg8[%dma_start3A_48, %dma_start3A_49, %dma_start3A_50] : memref<4x64x128xf32, #tpu.memory_space<vmem>> -> memref<1x64x128xf32, #tpu.memory_space<vmem>>
      %dma_start3A_52 = tpu.memref_squeeze %dma_start3A_51 : memref<1x64x128xf32, #tpu.memory_space<vmem>> -> memref<64x128xf32, #tpu.memory_space<vmem>>
      %dma_start3A_53 = arith.constant 0 : i32
      %dma_start3A_54 = tpu.memref_slice %arg6[%dma_start3A_47, %dma_start3A_53] : memref<40x64xi32, #tpu.memory_space<vmem>> -> memref<1x64xi32, #tpu.memory_space<vmem>>
      %dma_start3A_55 = tpu.memref_squeeze %dma_start3A_54 : memref<1x64xi32, #tpu.memory_space<vmem>> -> memref<64xi32, #tpu.memory_space<vmem>>
      %dma_start3A_56 = arith.constant 0 : i32
      %dma_start3A_57 = arith.constant 0 : i32
      %dma_start3A_58 = tpu.memref_slice %arg2[%dma_start3A_56, %dma_start3A_57] : memref<10240x128xf32, #tpu.memory_space<hbm>> -> memref<10240x128xf32, #tpu.memory_space<hbm>>
      tpu.enqueue_indirect_dma source(%dma_start3A_58 : memref<10240x128xf32, #tpu.memory_space<hbm>>) target(%dma_start3A_52 : memref<64x128xf32, #tpu.memory_space<vmem>>) offsets(%dma_start3A_55 : memref<64xi32, #tpu.memory_space<vmem>>) semaphore(%arg13 : memref<!tpu.dma_semaphore, #tpu.memory_space<semaphore_mem>>)
      %scan3A_59 = arith.constant 0 : i32
      %scan3A_60 = arith.constant 0 : i32
      %scan3A_61 = arith.constant 10 : i32
      %scan3A_62 = arith.addi %scan3A_60, %scan3A_61 : i32
      %scan3A_63 = arith.constant 1 : i32
      scf.for %scan3A_65 = %scan3A_60 to %scan3A_62 step %scan3A_63  : i32 {
        %mul3A_66 = arith.constant 4 : i32
        %mul3A_67 = arith.muli %scan3A_65, %mul3A_66 : i32
        %add3A_68 = arith.constant 0 : i32
        %add3A_69 = arith.addi %mul3A_67, %add3A_68 : i32
        %dma_wait3A = arith.constant 0 : i32
        %dma_wait3A_70 = arith.constant 0 : i32
        %dma_wait3A_71 = arith.constant 0 : i32
        %dma_wait3A_72 = tpu.memref_slice %arg8[%dma_wait3A, %dma_wait3A_70, %dma_wait3A_71] : memref<4x64x128xf32, #tpu.memory_space<vmem>> -> memref<1x64x128xf32, #tpu.memory_space<vmem>>
        %dma_wait3A_73 = tpu.memref_squeeze %dma_wait3A_72 : memref<1x64x128xf32, #tpu.memory_space<vmem>> -> memref<64x128xf32, #tpu.memory_space<vmem>>
        %dma_wait3A_74 = arith.constant 0 : i32
        %dma_wait3A_75 = tpu.memref_slice %arg6[%add3A_69, %dma_wait3A_74] : memref<40x64xi32, #tpu.memory_space<vmem>> -> memref<1x64xi32, #tpu.memory_space<vmem>>
        %dma_wait3A_76 = tpu.memref_squeeze %dma_wait3A_75 : memref<1x64xi32, #tpu.memory_space<vmem>> -> memref<64xi32, #tpu.memory_space<vmem>>
        %dma_wait3A_77 = arith.constant 0 : i32
        %dma_wait3A_78 = arith.constant 0 : i32
        %dma_wait3A_79 = tpu.memref_slice %arg2[%dma_wait3A_77, %dma_wait3A_78] : memref<10240x128xf32, #tpu.memory_space<hbm>> -> memref<10240x128xf32, #tpu.memory_space<hbm>>
        tpu.wait_indirect_dma semaphore(%arg10 : memref<!tpu.dma_semaphore, #tpu.memory_space<semaphore_mem>>) src(%dma_wait3A_79 : memref<10240x128xf32, #tpu.memory_space<hbm>>) dst(%dma_wait3A_73 : memref<64x128xf32, #tpu.memory_space<vmem>>)
        %run_scoped3A = arith.constant 0 : i32
        "tpu.region"() ({
          %run_scoped3A_139 = tpu.sem_alloc : memref<!tpu.dma_semaphore, #tpu.memory_space<semaphore_mem>>
          %dma_start3A_140 = arith.constant 0 : i32
          %dma_start3A_141 = arith.constant 0 : i32
          %dma_start3A_142 = tpu.memref_slice %arg8[%run_scoped3A, %dma_start3A_140, %dma_start3A_141] : memref<4x64x128xf32, #tpu.memory_space<vmem>> -> memref<1x64x128xf32, #tpu.memory_space<vmem>>
          %dma_start3A_143 = tpu.memref_squeeze %dma_start3A_142 : memref<1x64x128xf32, #tpu.memory_space<vmem>> -> memref<64x128xf32, #tpu.memory_space<vmem>>
          %dma_start3A_144 = arith.constant 0 : i32
          %dma_start3A_145 = tpu.memref_slice %arg7[%add3A_69, %dma_start3A_144] : memref<40x64xi32, #tpu.memory_space<vmem>> -> memref<1x64xi32, #tpu.memory_space<vmem>>
          %dma_start3A_146 = tpu.memref_squeeze %dma_start3A_145 : memref<1x64xi32, #tpu.memory_space<vmem>> -> memref<64xi32, #tpu.memory_space<vmem>>
          %dma_start3A_147 = arith.constant 0 : i32
          %dma_start3A_148 = arith.constant 0 : i32
          %dma_start3A_149 = tpu.memref_slice %arg9[%dma_start3A_147, %dma_start3A_148] : memref<10240x128xf32, #tpu.memory_space<vmem_shared>> -> memref<10240x128xf32, #tpu.memory_space<vmem_shared>>
          tpu.enqueue_indirect_dma source(%dma_start3A_143 : memref<64x128xf32, #tpu.memory_space<vmem>>) target(%dma_start3A_149 : memref<10240x128xf32, #tpu.memory_space<vmem_shared>>) offsets(%dma_start3A_146 : memref<64xi32, #tpu.memory_space<vmem>>) semaphore(%run_scoped3A_139 : memref<!tpu.dma_semaphore, #tpu.memory_space<semaphore_mem>>) {add = true}
          %dma_wait3A_150 = arith.constant 0 : i32
          %dma_wait3A_151 = arith.constant 0 : i32
          %dma_wait3A_152 = tpu.memref_slice %arg8[%run_scoped3A, %dma_wait3A_150, %dma_wait3A_151] : memref<4x64x128xf32, #tpu.memory_space<vmem>> -> memref<1x64x128xf32, #tpu.memory_space<vmem>>
          %dma_wait3A_153 = tpu.memref_squeeze %dma_wait3A_152 : memref<1x64x128xf32, #tpu.memory_space<vmem>> -> memref<64x128xf32, #tpu.memory_space<vmem>>
          %dma_wait3A_154 = arith.constant 0 : i32
          %dma_wait3A_155 = tpu.memref_slice %arg7[%add3A_69, %dma_wait3A_154] : memref<40x64xi32, #tpu.memory_space<vmem>> -> memref<1x64xi32, #tpu.memory_space<vmem>>
          %dma_wait3A_156 = tpu.memref_squeeze %dma_wait3A_155 : memref<1x64xi32, #tpu.memory_space<vmem>> -> memref<64xi32, #tpu.memory_space<vmem>>
          %dma_wait3A_157 = arith.constant 0 : i32
          %dma_wait3A_158 = arith.constant 0 : i32
          %dma_wait3A_159 = tpu.memref_slice %arg9[%dma_wait3A_157, %dma_wait3A_158] : memref<10240x128xf32, #tpu.memory_space<vmem_shared>> -> memref<10240x128xf32, #tpu.memory_space<vmem_shared>>
          tpu.wait_indirect_dma semaphore(%run_scoped3A_139 : memref<!tpu.dma_semaphore, #tpu.memory_space<semaphore_mem>>) src(%dma_wait3A_153 : memref<64x128xf32, #tpu.memory_space<vmem>>) dst(%dma_wait3A_159 : memref<10240x128xf32, #tpu.memory_space<vmem_shared>>)
          tpu.yield
        }) : () -> ()
        %lt3A = arith.constant 9 : i32
        %lt3A_80 = arith.cmpi slt, %scan3A_65, %lt3A : i32
        %convert_element_type3A = arith.extui %lt3A_80 : i1 to i32
        %cond3A = arith.constant 0 : i32
        %cond3A_81 = arith.cmpi ne, %convert_element_type3A, %cond3A : i32
        scf.if %cond3A_81 {
          %add3A_139 = arith.constant 4 : i32
          %add3A_140 = arith.addi %add3A_69, %add3A_139 : i32
          %dma_start3A_141 = arith.constant 0 : i32
          %dma_start3A_142 = arith.constant 0 : i32
          %dma_start3A_143 = arith.constant 0 : i32
          %dma_start3A_144 = tpu.memref_slice %arg8[%dma_start3A_141, %dma_start3A_142, %dma_start3A_143] : memref<4x64x128xf32, #tpu.memory_space<vmem>> -> memref<1x64x128xf32, #tpu.memory_space<vmem>>
          %dma_start3A_145 = tpu.memref_squeeze %dma_start3A_144 : memref<1x64x128xf32, #tpu.memory_space<vmem>> -> memref<64x128xf32, #tpu.memory_space<vmem>>
          %dma_start3A_146 = arith.constant 0 : i32
          %dma_start3A_147 = tpu.memref_slice %arg6[%add3A_140, %dma_start3A_146] : memref<40x64xi32, #tpu.memory_space<vmem>> -> memref<1x64xi32, #tpu.memory_space<vmem>>
          %dma_start3A_148 = tpu.memref_squeeze %dma_start3A_147 : memref<1x64xi32, #tpu.memory_space<vmem>> -> memref<64xi32, #tpu.memory_space<vmem>>
          %dma_start3A_149 = arith.constant 0 : i32
          %dma_start3A_150 = arith.constant 0 : i32
          %dma_start3A_151 = tpu.memref_slice %arg2[%dma_start3A_149, %dma_start3A_150] : memref<10240x128xf32, #tpu.memory_space<hbm>> -> memref<10240x128xf32, #tpu.memory_space<hbm>>
          tpu.enqueue_indirect_dma source(%dma_start3A_151 : memref<10240x128xf32, #tpu.memory_space<hbm>>) target(%dma_start3A_145 : memref<64x128xf32, #tpu.memory_space<vmem>>) offsets(%dma_start3A_148 : memref<64xi32, #tpu.memory_space<vmem>>) semaphore(%arg10 : memref<!tpu.dma_semaphore, #tpu.memory_space<semaphore_mem>>)
        } else {
        }
        %add3A_82 = arith.constant 1 : i32
        %add3A_83 = arith.addi %mul3A_67, %add3A_82 : i32
        %dma_wait3A_84 = arith.constant 1 : i32
        %dma_wait3A_85 = arith.constant 0 : i32
        %dma_wait3A_86 = arith.constant 0 : i32
        %dma_wait3A_87 = tpu.memref_slice %arg8[%dma_wait3A_84, %dma_wait3A_85, %dma_wait3A_86] : memref<4x64x128xf32, #tpu.memory_space<vmem>> -> memref<1x64x128xf32, #tpu.memory_space<vmem>>
        %dma_wait3A_88 = tpu.memref_squeeze %dma_wait3A_87 : memref<1x64x128xf32, #tpu.memory_space<vmem>> -> memref<64x128xf32, #tpu.memory_space<vmem>>
        %dma_wait3A_89 = arith.constant 0 : i32
        %dma_wait3A_90 = tpu.memref_slice %arg6[%add3A_83, %dma_wait3A_89] : memref<40x64xi32, #tpu.memory_space<vmem>> -> memref<1x64xi32, #tpu.memory_space<vmem>>
        %dma_wait3A_91 = tpu.memref_squeeze %dma_wait3A_90 : memref<1x64xi32, #tpu.memory_space<vmem>> -> memref<64xi32, #tpu.memory_space<vmem>>
        %dma_wait3A_92 = arith.constant 0 : i32
        %dma_wait3A_93 = arith.constant 0 : i32
        %dma_wait3A_94 = tpu.memref_slice %arg2[%dma_wait3A_92, %dma_wait3A_93] : memref<10240x128xf32, #tpu.memory_space<hbm>> -> memref<10240x128xf32, #tpu.memory_space<hbm>>
        tpu.wait_indirect_dma semaphore(%arg11 : memref<!tpu.dma_semaphore, #tpu.memory_space<semaphore_mem>>) src(%dma_wait3A_94 : memref<10240x128xf32, #tpu.memory_space<hbm>>) dst(%dma_wait3A_88 : memref<64x128xf32, #tpu.memory_space<vmem>>)
        %run_scoped3A_95 = arith.constant 1 : i32
        "tpu.region"() ({
          %run_scoped3A_139 = tpu.sem_alloc : memref<!tpu.dma_semaphore, #tpu.memory_space<semaphore_mem>>
          %dma_start3A_140 = arith.constant 0 : i32
          %dma_start3A_141 = arith.constant 0 : i32
          %dma_start3A_142 = tpu.memref_slice %arg8[%run_scoped3A_95, %dma_start3A_140, %dma_start3A_141] : memref<4x64x128xf32, #tpu.memory_space<vmem>> -> memref<1x64x128xf32, #tpu.memory_space<vmem>>
          %dma_start3A_143 = tpu.memref_squeeze %dma_start3A_142 : memref<1x64x128xf32, #tpu.memory_space<vmem>> -> memref<64x128xf32, #tpu.memory_space<vmem>>
          %dma_start3A_144 = arith.constant 0 : i32
          %dma_start3A_145 = tpu.memref_slice %arg7[%add3A_83, %dma_start3A_144] : memref<40x64xi32, #tpu.memory_space<vmem>> -> memref<1x64xi32, #tpu.memory_space<vmem>>
          %dma_start3A_146 = tpu.memref_squeeze %dma_start3A_145 : memref<1x64xi32, #tpu.memory_space<vmem>> -> memref<64xi32, #tpu.memory_space<vmem>>
          %dma_start3A_147 = arith.constant 0 : i32
          %dma_start3A_148 = arith.constant 0 : i32
          %dma_start3A_149 = tpu.memref_slice %arg9[%dma_start3A_147, %dma_start3A_148] : memref<10240x128xf32, #tpu.memory_space<vmem_shared>> -> memref<10240x128xf32, #tpu.memory_space<vmem_shared>>
          tpu.enqueue_indirect_dma source(%dma_start3A_143 : memref<64x128xf32, #tpu.memory_space<vmem>>) target(%dma_start3A_149 : memref<10240x128xf32, #tpu.memory_space<vmem_shared>>) offsets(%dma_start3A_146 : memref<64xi32, #tpu.memory_space<vmem>>) semaphore(%run_scoped3A_139 : memref<!tpu.dma_semaphore, #tpu.memory_space<semaphore_mem>>) {add = true}
          %dma_wait3A_150 = arith.constant 0 : i32
          %dma_wait3A_151 = arith.constant 0 : i32
          %dma_wait3A_152 = tpu.memref_slice %arg8[%run_scoped3A_95, %dma_wait3A_150, %dma_wait3A_151] : memref<4x64x128xf32, #tpu.memory_space<vmem>> -> memref<1x64x128xf32, #tpu.memory_space<vmem>>
          %dma_wait3A_153 = tpu.memref_squeeze %dma_wait3A_152 : memref<1x64x128xf32, #tpu.memory_space<vmem>> -> memref<64x128xf32, #tpu.memory_space<vmem>>
          %dma_wait3A_154 = arith.constant 0 : i32
          %dma_wait3A_155 = tpu.memref_slice %arg7[%add3A_83, %dma_wait3A_154] : memref<40x64xi32, #tpu.memory_space<vmem>> -> memref<1x64xi32, #tpu.memory_space<vmem>>
          %dma_wait3A_156 = tpu.memref_squeeze %dma_wait3A_155 : memref<1x64xi32, #tpu.memory_space<vmem>> -> memref<64xi32, #tpu.memory_space<vmem>>
          %dma_wait3A_157 = arith.constant 0 : i32
          %dma_wait3A_158 = arith.constant 0 : i32
          %dma_wait3A_159 = tpu.memref_slice %arg9[%dma_wait3A_157, %dma_wait3A_158] : memref<10240x128xf32, #tpu.memory_space<vmem_shared>> -> memref<10240x128xf32, #tpu.memory_space<vmem_shared>>
          tpu.wait_indirect_dma semaphore(%run_scoped3A_139 : memref<!tpu.dma_semaphore, #tpu.memory_space<semaphore_mem>>) src(%dma_wait3A_153 : memref<64x128xf32, #tpu.memory_space<vmem>>) dst(%dma_wait3A_159 : memref<10240x128xf32, #tpu.memory_space<vmem_shared>>)
          tpu.yield
        }) : () -> ()
        %lt3A_96 = arith.constant 9 : i32
        %lt3A_97 = arith.cmpi slt, %scan3A_65, %lt3A_96 : i32
        %convert_element_type3A_98 = arith.extui %lt3A_97 : i1 to i32
        %cond3A_99 = arith.constant 0 : i32
        %cond3A_100 = arith.cmpi ne, %convert_element_type3A_98, %cond3A_99 : i32
        scf.if %cond3A_100 {
          %add3A_139 = arith.constant 4 : i32
          %add3A_140 = arith.addi %add3A_83, %add3A_139 : i32
          %dma_start3A_141 = arith.constant 1 : i32
          %dma_start3A_142 = arith.constant 0 : i32
          %dma_start3A_143 = arith.constant 0 : i32
          %dma_start3A_144 = tpu.memref_slice %arg8[%dma_start3A_141, %dma_start3A_142, %dma_start3A_143] : memref<4x64x128xf32, #tpu.memory_space<vmem>> -> memref<1x64x128xf32, #tpu.memory_space<vmem>>
          %dma_start3A_145 = tpu.memref_squeeze %dma_start3A_144 : memref<1x64x128xf32, #tpu.memory_space<vmem>> -> memref<64x128xf32, #tpu.memory_space<vmem>>
          %dma_start3A_146 = arith.constant 0 : i32
          %dma_start3A_147 = tpu.memref_slice %arg6[%add3A_140, %dma_start3A_146] : memref<40x64xi32, #tpu.memory_space<vmem>> -> memref<1x64xi32, #tpu.memory_space<vmem>>
          %dma_start3A_148 = tpu.memref_squeeze %dma_start3A_147 : memref<1x64xi32, #tpu.memory_space<vmem>> -> memref<64xi32, #tpu.memory_space<vmem>>
          %dma_start3A_149 = arith.constant 0 : i32
          %dma_start3A_150 = arith.constant 0 : i32
          %dma_start3A_151 = tpu.memref_slice %arg2[%dma_start3A_149, %dma_start3A_150] : memref<10240x128xf32, #tpu.memory_space<hbm>> -> memref<10240x128xf32, #tpu.memory_space<hbm>>
          tpu.enqueue_indirect_dma source(%dma_start3A_151 : memref<10240x128xf32, #tpu.memory_space<hbm>>) target(%dma_start3A_145 : memref<64x128xf32, #tpu.memory_space<vmem>>) offsets(%dma_start3A_148 : memref<64xi32, #tpu.memory_space<vmem>>) semaphore(%arg11 : memref<!tpu.dma_semaphore, #tpu.memory_space<semaphore_mem>>)
        } else {
        }
        %add3A_101 = arith.constant 2 : i32
        %add3A_102 = arith.addi %mul3A_67, %add3A_101 : i32
        %dma_wait3A_103 = arith.constant 2 : i32
        %dma_wait3A_104 = arith.constant 0 : i32
        %dma_wait3A_105 = arith.constant 0 : i32
        %dma_wait3A_106 = tpu.memref_slice %arg8[%dma_wait3A_103, %dma_wait3A_104, %dma_wait3A_105] : memref<4x64x128xf32, #tpu.memory_space<vmem>> -> memref<1x64x128xf32, #tpu.memory_space<vmem>>
        %dma_wait3A_107 = tpu.memref_squeeze %dma_wait3A_106 : memref<1x64x128xf32, #tpu.memory_space<vmem>> -> memref<64x128xf32, #tpu.memory_space<vmem>>
        %dma_wait3A_108 = arith.constant 0 : i32
        %dma_wait3A_109 = tpu.memref_slice %arg6[%add3A_102, %dma_wait3A_108] : memref<40x64xi32, #tpu.memory_space<vmem>> -> memref<1x64xi32, #tpu.memory_space<vmem>>
        %dma_wait3A_110 = tpu.memref_squeeze %dma_wait3A_109 : memref<1x64xi32, #tpu.memory_space<vmem>> -> memref<64xi32, #tpu.memory_space<vmem>>
        %dma_wait3A_111 = arith.constant 0 : i32
        %dma_wait3A_112 = arith.constant 0 : i32
        %dma_wait3A_113 = tpu.memref_slice %arg2[%dma_wait3A_111, %dma_wait3A_112] : memref<10240x128xf32, #tpu.memory_space<hbm>> -> memref<10240x128xf32, #tpu.memory_space<hbm>>
        tpu.wait_indirect_dma semaphore(%arg12 : memref<!tpu.dma_semaphore, #tpu.memory_space<semaphore_mem>>) src(%dma_wait3A_113 : memref<10240x128xf32, #tpu.memory_space<hbm>>) dst(%dma_wait3A_107 : memref<64x128xf32, #tpu.memory_space<vmem>>)
        %run_scoped3A_114 = arith.constant 2 : i32
        "tpu.region"() ({
          %run_scoped3A_139 = tpu.sem_alloc : memref<!tpu.dma_semaphore, #tpu.memory_space<semaphore_mem>>
          %dma_start3A_140 = arith.constant 0 : i32
          %dma_start3A_141 = arith.constant 0 : i32
          %dma_start3A_142 = tpu.memref_slice %arg8[%run_scoped3A_114, %dma_start3A_140, %dma_start3A_141] : memref<4x64x128xf32, #tpu.memory_space<vmem>> -> memref<1x64x128xf32, #tpu.memory_space<vmem>>
          %dma_start3A_143 = tpu.memref_squeeze %dma_start3A_142 : memref<1x64x128xf32, #tpu.memory_space<vmem>> -> memref<64x128xf32, #tpu.memory_space<vmem>>
          %dma_start3A_144 = arith.constant 0 : i32
          %dma_start3A_145 = tpu.memref_slice %arg7[%add3A_102, %dma_start3A_144] : memref<40x64xi32, #tpu.memory_space<vmem>> -> memref<1x64xi32, #tpu.memory_space<vmem>>
          %dma_start3A_146 = tpu.memref_squeeze %dma_start3A_145 : memref<1x64xi32, #tpu.memory_space<vmem>> -> memref<64xi32, #tpu.memory_space<vmem>>
          %dma_start3A_147 = arith.constant 0 : i32
          %dma_start3A_148 = arith.constant 0 : i32
          %dma_start3A_149 = tpu.memref_slice %arg9[%dma_start3A_147, %dma_start3A_148] : memref<10240x128xf32, #tpu.memory_space<vmem_shared>> -> memref<10240x128xf32, #tpu.memory_space<vmem_shared>>
          tpu.enqueue_indirect_dma source(%dma_start3A_143 : memref<64x128xf32, #tpu.memory_space<vmem>>) target(%dma_start3A_149 : memref<10240x128xf32, #tpu.memory_space<vmem_shared>>) offsets(%dma_start3A_146 : memref<64xi32, #tpu.memory_space<vmem>>) semaphore(%run_scoped3A_139 : memref<!tpu.dma_semaphore, #tpu.memory_space<semaphore_mem>>) {add = true}
          %dma_wait3A_150 = arith.constant 0 : i32
          %dma_wait3A_151 = arith.constant 0 : i32
          %dma_wait3A_152 = tpu.memref_slice %arg8[%run_scoped3A_114, %dma_wait3A_150, %dma_wait3A_151] : memref<4x64x128xf32, #tpu.memory_space<vmem>> -> memref<1x64x128xf32, #tpu.memory_space<vmem>>
          %dma_wait3A_153 = tpu.memref_squeeze %dma_wait3A_152 : memref<1x64x128xf32, #tpu.memory_space<vmem>> -> memref<64x128xf32, #tpu.memory_space<vmem>>
          %dma_wait3A_154 = arith.constant 0 : i32
          %dma_wait3A_155 = tpu.memref_slice %arg7[%add3A_102, %dma_wait3A_154] : memref<40x64xi32, #tpu.memory_space<vmem>> -> memref<1x64xi32, #tpu.memory_space<vmem>>
          %dma_wait3A_156 = tpu.memref_squeeze %dma_wait3A_155 : memref<1x64xi32, #tpu.memory_space<vmem>> -> memref<64xi32, #tpu.memory_space<vmem>>
          %dma_wait3A_157 = arith.constant 0 : i32
          %dma_wait3A_158 = arith.constant 0 : i32
          %dma_wait3A_159 = tpu.memref_slice %arg9[%dma_wait3A_157, %dma_wait3A_158] : memref<10240x128xf32, #tpu.memory_space<vmem_shared>> -> memref<10240x128xf32, #tpu.memory_space<vmem_shared>>
          tpu.wait_indirect_dma semaphore(%run_scoped3A_139 : memref<!tpu.dma_semaphore, #tpu.memory_space<semaphore_mem>>) src(%dma_wait3A_153 : memref<64x128xf32, #tpu.memory_space<vmem>>) dst(%dma_wait3A_159 : memref<10240x128xf32, #tpu.memory_space<vmem_shared>>)
          tpu.yield
        }) : () -> ()
        %lt3A_115 = arith.constant 9 : i32
        %lt3A_116 = arith.cmpi slt, %scan3A_65, %lt3A_115 : i32
        %convert_element_type3A_117 = arith.extui %lt3A_116 : i1 to i32
        %cond3A_118 = arith.constant 0 : i32
        %cond3A_119 = arith.cmpi ne, %convert_element_type3A_117, %cond3A_118 : i32
        scf.if %cond3A_119 {
          %add3A_139 = arith.constant 4 : i32
          %add3A_140 = arith.addi %add3A_102, %add3A_139 : i32
          %dma_start3A_141 = arith.constant 2 : i32
          %dma_start3A_142 = arith.constant 0 : i32
          %dma_start3A_143 = arith.constant 0 : i32
          %dma_start3A_144 = tpu.memref_slice %arg8[%dma_start3A_141, %dma_start3A_142, %dma_start3A_143] : memref<4x64x128xf32, #tpu.memory_space<vmem>> -> memref<1x64x128xf32, #tpu.memory_space<vmem>>
          %dma_start3A_145 = tpu.memref_squeeze %dma_start3A_144 : memref<1x64x128xf32, #tpu.memory_space<vmem>> -> memref<64x128xf32, #tpu.memory_space<vmem>>
          %dma_start3A_146 = arith.constant 0 : i32
          %dma_start3A_147 = tpu.memref_slice %arg6[%add3A_140, %dma_start3A_146] : memref<40x64xi32, #tpu.memory_space<vmem>> -> memref<1x64xi32, #tpu.memory_space<vmem>>
          %dma_start3A_148 = tpu.memref_squeeze %dma_start3A_147 : memref<1x64xi32, #tpu.memory_space<vmem>> -> memref<64xi32, #tpu.memory_space<vmem>>
          %dma_start3A_149 = arith.constant 0 : i32
          %dma_start3A_150 = arith.constant 0 : i32
          %dma_start3A_151 = tpu.memref_slice %arg2[%dma_start3A_149, %dma_start3A_150] : memref<10240x128xf32, #tpu.memory_space<hbm>> -> memref<10240x128xf32, #tpu.memory_space<hbm>>
          tpu.enqueue_indirect_dma source(%dma_start3A_151 : memref<10240x128xf32, #tpu.memory_space<hbm>>) target(%dma_start3A_145 : memref<64x128xf32, #tpu.memory_space<vmem>>) offsets(%dma_start3A_148 : memref<64xi32, #tpu.memory_space<vmem>>) semaphore(%arg12 : memref<!tpu.dma_semaphore, #tpu.memory_space<semaphore_mem>>)
        } else {
        }
        %add3A_120 = arith.constant 3 : i32
        %add3A_121 = arith.addi %mul3A_67, %add3A_120 : i32
        %dma_wait3A_122 = arith.constant 3 : i32
        %dma_wait3A_123 = arith.constant 0 : i32
        %dma_wait3A_124 = arith.constant 0 : i32
        %dma_wait3A_125 = tpu.memref_slice %arg8[%dma_wait3A_122, %dma_wait3A_123, %dma_wait3A_124] : memref<4x64x128xf32, #tpu.memory_space<vmem>> -> memref<1x64x128xf32, #tpu.memory_space<vmem>>
        %dma_wait3A_126 = tpu.memref_squeeze %dma_wait3A_125 : memref<1x64x128xf32, #tpu.memory_space<vmem>> -> memref<64x128xf32, #tpu.memory_space<vmem>>
        %dma_wait3A_127 = arith.constant 0 : i32
        %dma_wait3A_128 = tpu.memref_slice %arg6[%add3A_121, %dma_wait3A_127] : memref<40x64xi32, #tpu.memory_space<vmem>> -> memref<1x64xi32, #tpu.memory_space<vmem>>
        %dma_wait3A_129 = tpu.memref_squeeze %dma_wait3A_128 : memref<1x64xi32, #tpu.memory_space<vmem>> -> memref<64xi32, #tpu.memory_space<vmem>>
        %dma_wait3A_130 = arith.constant 0 : i32
        %dma_wait3A_131 = arith.constant 0 : i32
        %dma_wait3A_132 = tpu.memref_slice %arg2[%dma_wait3A_130, %dma_wait3A_131] : memref<10240x128xf32, #tpu.memory_space<hbm>> -> memref<10240x128xf32, #tpu.memory_space<hbm>>
        tpu.wait_indirect_dma semaphore(%arg13 : memref<!tpu.dma_semaphore, #tpu.memory_space<semaphore_mem>>) src(%dma_wait3A_132 : memref<10240x128xf32, #tpu.memory_space<hbm>>) dst(%dma_wait3A_126 : memref<64x128xf32, #tpu.memory_space<vmem>>)
        %run_scoped3A_133 = arith.constant 3 : i32
        "tpu.region"() ({
          %run_scoped3A_139 = tpu.sem_alloc : memref<!tpu.dma_semaphore, #tpu.memory_space<semaphore_mem>>
          %dma_start3A_140 = arith.constant 0 : i32
          %dma_start3A_141 = arith.constant 0 : i32
          %dma_start3A_142 = tpu.memref_slice %arg8[%run_scoped3A_133, %dma_start3A_140, %dma_start3A_141] : memref<4x64x128xf32, #tpu.memory_space<vmem>> -> memref<1x64x128xf32, #tpu.memory_space<vmem>>
          %dma_start3A_143 = tpu.memref_squeeze %dma_start3A_142 : memref<1x64x128xf32, #tpu.memory_space<vmem>> -> memref<64x128xf32, #tpu.memory_space<vmem>>
          %dma_start3A_144 = arith.constant 0 : i32
          %dma_start3A_145 = tpu.memref_slice %arg7[%add3A_121, %dma_start3A_144] : memref<40x64xi32, #tpu.memory_space<vmem>> -> memref<1x64xi32, #tpu.memory_space<vmem>>
          %dma_start3A_146 = tpu.memref_squeeze %dma_start3A_145 : memref<1x64xi32, #tpu.memory_space<vmem>> -> memref<64xi32, #tpu.memory_space<vmem>>
          %dma_start3A_147 = arith.constant 0 : i32
          %dma_start3A_148 = arith.constant 0 : i32
          %dma_start3A_149 = tpu.memref_slice %arg9[%dma_start3A_147, %dma_start3A_148] : memref<10240x128xf32, #tpu.memory_space<vmem_shared>> -> memref<10240x128xf32, #tpu.memory_space<vmem_shared>>
          tpu.enqueue_indirect_dma source(%dma_start3A_143 : memref<64x128xf32, #tpu.memory_space<vmem>>) target(%dma_start3A_149 : memref<10240x128xf32, #tpu.memory_space<vmem_shared>>) offsets(%dma_start3A_146 : memref<64xi32, #tpu.memory_space<vmem>>) semaphore(%run_scoped3A_139 : memref<!tpu.dma_semaphore, #tpu.memory_space<semaphore_mem>>) {add = true}
          %dma_wait3A_150 = arith.constant 0 : i32
          %dma_wait3A_151 = arith.constant 0 : i32
          %dma_wait3A_152 = tpu.memref_slice %arg8[%run_scoped3A_133, %dma_wait3A_150, %dma_wait3A_151] : memref<4x64x128xf32, #tpu.memory_space<vmem>> -> memref<1x64x128xf32, #tpu.memory_space<vmem>>
          %dma_wait3A_153 = tpu.memref_squeeze %dma_wait3A_152 : memref<1x64x128xf32, #tpu.memory_space<vmem>> -> memref<64x128xf32, #tpu.memory_space<vmem>>
          %dma_wait3A_154 = arith.constant 0 : i32
          %dma_wait3A_155 = tpu.memref_slice %arg7[%add3A_121, %dma_wait3A_154] : memref<40x64xi32, #tpu.memory_space<vmem>> -> memref<1x64xi32, #tpu.memory_space<vmem>>
          %dma_wait3A_156 = tpu.memref_squeeze %dma_wait3A_155 : memref<1x64xi32, #tpu.memory_space<vmem>> -> memref<64xi32, #tpu.memory_space<vmem>>
          %dma_wait3A_157 = arith.constant 0 : i32
          %dma_wait3A_158 = arith.constant 0 : i32
          %dma_wait3A_159 = tpu.memref_slice %arg9[%dma_wait3A_157, %dma_wait3A_158] : memref<10240x128xf32, #tpu.memory_space<vmem_shared>> -> memref<10240x128xf32, #tpu.memory_space<vmem_shared>>
          tpu.wait_indirect_dma semaphore(%run_scoped3A_139 : memref<!tpu.dma_semaphore, #tpu.memory_space<semaphore_mem>>) src(%dma_wait3A_153 : memref<64x128xf32, #tpu.memory_space<vmem>>) dst(%dma_wait3A_159 : memref<10240x128xf32, #tpu.memory_space<vmem_shared>>)
          tpu.yield
        }) : () -> ()
        %lt3A_134 = arith.constant 9 : i32
        %lt3A_135 = arith.cmpi slt, %scan3A_65, %lt3A_134 : i32
        %convert_element_type3A_136 = arith.extui %lt3A_135 : i1 to i32
        %cond3A_137 = arith.constant 0 : i32
        %cond3A_138 = arith.cmpi ne, %convert_element_type3A_136, %cond3A_137 : i32
        scf.if %cond3A_138 {
          %add3A_139 = arith.constant 4 : i32
          %add3A_140 = arith.addi %add3A_121, %add3A_139 : i32
          %dma_start3A_141 = arith.constant 3 : i32
          %dma_start3A_142 = arith.constant 0 : i32
          %dma_start3A_143 = arith.constant 0 : i32
          %dma_start3A_144 = tpu.memref_slice %arg8[%dma_start3A_141, %dma_start3A_142, %dma_start3A_143] : memref<4x64x128xf32, #tpu.memory_space<vmem>> -> memref<1x64x128xf32, #tpu.memory_space<vmem>>
          %dma_start3A_145 = tpu.memref_squeeze %dma_start3A_144 : memref<1x64x128xf32, #tpu.memory_space<vmem>> -> memref<64x128xf32, #tpu.memory_space<vmem>>
          %dma_start3A_146 = arith.constant 0 : i32
          %dma_start3A_147 = tpu.memref_slice %arg6[%add3A_140, %dma_start3A_146] : memref<40x64xi32, #tpu.memory_space<vmem>> -> memref<1x64xi32, #tpu.memory_space<vmem>>
          %dma_start3A_148 = tpu.memref_squeeze %dma_start3A_147 : memref<1x64xi32, #tpu.memory_space<vmem>> -> memref<64xi32, #tpu.memory_space<vmem>>
          %dma_start3A_149 = arith.constant 0 : i32
          %dma_start3A_150 = arith.constant 0 : i32
          %dma_start3A_151 = tpu.memref_slice %arg2[%dma_start3A_149, %dma_start3A_150] : memref<10240x128xf32, #tpu.memory_space<hbm>> -> memref<10240x128xf32, #tpu.memory_space<hbm>>
          tpu.enqueue_indirect_dma source(%dma_start3A_151 : memref<10240x128xf32, #tpu.memory_space<hbm>>) target(%dma_start3A_145 : memref<64x128xf32, #tpu.memory_space<vmem>>) offsets(%dma_start3A_148 : memref<64xi32, #tpu.memory_space<vmem>>) semaphore(%arg13 : memref<!tpu.dma_semaphore, #tpu.memory_space<semaphore_mem>>)
        } else {
        }
      }
      %scan3A_64 = arith.constant 10 : i32
    }
    %scan3A_7 = arith.constant 4 : i32
    %barrier3A_8 = arith.constant 0 : index
    tpu.barrier barrier_id(%barrier3A_8)
    "tpu.region"() ({
      %run_scoped3A = tpu.sem_alloc : memref<!tpu.dma_semaphore, #tpu.memory_space<semaphore_mem>>
      %dma_start3A = arith.constant 0 : i32
      %dma_start3A_9 = tpu.memref_slice %arg5[%arg0, %mul3A_2, %dma_start3A] : memref<2x10240x128xf32, #tpu.memory_space<hbm>> -> memref<1x640x128xf32, #tpu.memory_space<hbm>>
      %dma_start3A_10 = tpu.memref_squeeze %dma_start3A_9 : memref<1x640x128xf32, #tpu.memory_space<hbm>> -> memref<640x128xf32, #tpu.memory_space<hbm>>
      %dma_start3A_11 = arith.constant 0 : i32
      %dma_start3A_12 = tpu.memref_slice %arg9[%mul3A_2, %dma_start3A_11] : memref<10240x128xf32, #tpu.memory_space<vmem_shared>> -> memref<640x128xf32, #tpu.memory_space<vmem_shared>>
      tpu.enqueue_dma source(%dma_start3A_12 : memref<640x128xf32, #tpu.memory_space<vmem_shared>>) target(%dma_start3A_10 : memref<640x128xf32, #tpu.memory_space<hbm>>) target_semaphore(%run_scoped3A : memref<!tpu.dma_semaphore, #tpu.memory_space<semaphore_mem>>)
      %dma_wait3A = arith.constant 0 : i32
      %dma_wait3A_13 = tpu.memref_slice %arg5[%arg0, %mul3A_2, %dma_wait3A] : memref<2x10240x128xf32, #tpu.memory_space<hbm>> -> memref<1x640x128xf32, #tpu.memory_space<hbm>>
      %dma_wait3A_14 = tpu.memref_squeeze %dma_wait3A_13 : memref<1x640x128xf32, #tpu.memory_space<hbm>> -> memref<640x128xf32, #tpu.memory_space<hbm>>
      %dma_wait3A_15 = arith.constant 0 : i32
      %dma_wait3A_16 = tpu.memref_slice %arg9[%mul3A_2, %dma_wait3A_15] : memref<10240x128xf32, #tpu.memory_space<vmem_shared>> -> memref<640x128xf32, #tpu.memory_space<vmem_shared>>
      tpu.wait_dma2 semaphore(%run_scoped3A : memref<!tpu.dma_semaphore, #tpu.memory_space<semaphore_mem>>) src(%dma_wait3A_16 : memref<640x128xf32, #tpu.memory_space<vmem_shared>>) dst(%dma_wait3A_14 : memref<640x128xf32, #tpu.memory_space<hbm>>)
      tpu.yield
    }) : () -> ()
    return
  }
}

#map = affine_map<(d0, d1) -> (0, 0, 0)>
#map1 = affine_map<(d0, d1) -> (0)>
module attributes {stable_mosaic.version = 14 : i64} {
  func.func @deg_kernel(%arg0: i32, %arg1: i32, %arg2: memref<32x160x64xi32, #tpu.memory_space<hbm>>, %arg3: memref<10240xf32, #tpu.memory_space<hbm>>, %arg4: memref<10240xf32, #tpu.memory_space<hbm>>, %arg5: memref<160x64xi32, #tpu.memory_space<vmem>>, %arg6: memref<64xf32, #tpu.memory_space<vmem>>, %arg7: memref<640xf32, #tpu.memory_space<vmem>>, %arg8: memref<10240xf32, #tpu.memory_space<vmem_shared>>) attributes {dimension_semantics = [#tpu.dimension_semantics<core_parallel>, #tpu.dimension_semantics<subcore_parallel>], iteration_bounds = array<i64: 2, 16>, scalar_prefetch = 0 : i64, scratch_operands = 4 : i64, tpu.core_type = #tpu.core_type<sc_vector_subcore>, window_params = [{transform_indices = #map}, {transform_indices = #map1}, {transform_indices = #map1}]} {
    %mul3A = arith.constant 16 : i32
    %mul3A_0 = arith.muli %arg0, %mul3A : i32
    %add3A = arith.addi %mul3A_0, %arg1 : i32
    %broadcast_in_dim3A = arith.constant 0.000000e+00 : f32
    %broadcast_in_dim3A_1 = vector.broadcast %broadcast_in_dim3A : f32 to vector<16xf32>
    %swap3A = arith.constant 0 : index
    %swap3A_2 = tpu.vector_load %arg7[%swap3A] {strides = array<i32>} : memref<640xf32, #tpu.memory_space<vmem>>, vector<16xf32>,
    %swap3A_3 = vector.shape_cast %swap3A_2 : vector<16xf32> to vector<16xf32>
    %swap3A_4 = vector.shape_cast %broadcast_in_dim3A_1 : vector<16xf32> to vector<16xf32>
    tpu.vector_store %arg7[%swap3A], %swap3A_4 {strides = array<i32>} : memref<640xf32, #tpu.memory_space<vmem>>, vector<16xf32>,
    %broadcast_in_dim3A_5 = arith.constant 0.000000e+00 : f32
    %broadcast_in_dim3A_6 = vector.broadcast %broadcast_in_dim3A_5 : f32 to vector<16xf32>
    %swap3A_7 = arith.constant 16 : index
    %swap3A_8 = tpu.vector_load %arg7[%swap3A_7] {strides = array<i32>} : memref<640xf32, #tpu.memory_space<vmem>>, vector<16xf32>,
    %swap3A_9 = vector.shape_cast %swap3A_8 : vector<16xf32> to vector<16xf32>
    %swap3A_10 = vector.shape_cast %broadcast_in_dim3A_6 : vector<16xf32> to vector<16xf32>
    tpu.vector_store %arg7[%swap3A_7], %swap3A_10 {strides = array<i32>} : memref<640xf32, #tpu.memory_space<vmem>>, vector<16xf32>,
    %broadcast_in_dim3A_11 = arith.constant 0.000000e+00 : f32
    %broadcast_in_dim3A_12 = vector.broadcast %broadcast_in_dim3A_11 : f32 to vector<16xf32>
    %swap3A_13 = arith.constant 32 : index
    %swap3A_14 = tpu.vector_load %arg7[%swap3A_13] {strides = array<i32>} : memref<640xf32, #tpu.memory_space<vmem>>, vector<16xf32>,
    %swap3A_15 = vector.shape_cast %swap3A_14 : vector<16xf32> to vector<16xf32>
    %swap3A_16 = vector.shape_cast %broadcast_in_dim3A_12 : vector<16xf32> to vector<16xf32>
    tpu.vector_store %arg7[%swap3A_13], %swap3A_16 {strides = array<i32>} : memref<640xf32, #tpu.memory_space<vmem>>, vector<16xf32>,
    %broadcast_in_dim3A_17 = arith.constant 0.000000e+00 : f32
    %broadcast_in_dim3A_18 = vector.broadcast %broadcast_in_dim3A_17 : f32 to vector<16xf32>
    %swap3A_19 = arith.constant 48 : index
    %swap3A_20 = tpu.vector_load %arg7[%swap3A_19] {strides = array<i32>} : memref<640xf32, #tpu.memory_space<vmem>>, vector<16xf32>,
    %swap3A_21 = vector.shape_cast %swap3A_20 : vector<16xf32> to vector<16xf32>
    %swap3A_22 = vector.shape_cast %broadcast_in_dim3A_18 : vector<16xf32> to vector<16xf32>
    tpu.vector_store %arg7[%swap3A_19], %swap3A_22 {strides = array<i32>} : memref<640xf32, #tpu.memory_space<vmem>>, vector<16xf32>,
    %broadcast_in_dim3A_23 = arith.constant 0.000000e+00 : f32
    %broadcast_in_dim3A_24 = vector.broadcast %broadcast_in_dim3A_23 : f32 to vector<16xf32>
    %swap3A_25 = arith.constant 64 : index
    %swap3A_26 = tpu.vector_load %arg7[%swap3A_25] {strides = array<i32>} : memref<640xf32, #tpu.memory_space<vmem>>, vector<16xf32>,
    %swap3A_27 = vector.shape_cast %swap3A_26 : vector<16xf32> to vector<16xf32>
    %swap3A_28 = vector.shape_cast %broadcast_in_dim3A_24 : vector<16xf32> to vector<16xf32>
    tpu.vector_store %arg7[%swap3A_25], %swap3A_28 {strides = array<i32>} : memref<640xf32, #tpu.memory_space<vmem>>, vector<16xf32>,
    %broadcast_in_dim3A_29 = arith.constant 0.000000e+00 : f32
    %broadcast_in_dim3A_30 = vector.broadcast %broadcast_in_dim3A_29 : f32 to vector<16xf32>
    %swap3A_31 = arith.constant 80 : index
    %swap3A_32 = tpu.vector_load %arg7[%swap3A_31] {strides = array<i32>} : memref<640xf32, #tpu.memory_space<vmem>>, vector<16xf32>,
    %swap3A_33 = vector.shape_cast %swap3A_32 : vector<16xf32> to vector<16xf32>
    %swap3A_34 = vector.shape_cast %broadcast_in_dim3A_30 : vector<16xf32> to vector<16xf32>
    tpu.vector_store %arg7[%swap3A_31], %swap3A_34 {strides = array<i32>} : memref<640xf32, #tpu.memory_space<vmem>>, vector<16xf32>,
    %broadcast_in_dim3A_35 = arith.constant 0.000000e+00 : f32
    %broadcast_in_dim3A_36 = vector.broadcast %broadcast_in_dim3A_35 : f32 to vector<16xf32>
    %swap3A_37 = arith.constant 96 : index
    %swap3A_38 = tpu.vector_load %arg7[%swap3A_37] {strides = array<i32>} : memref<640xf32, #tpu.memory_space<vmem>>, vector<16xf32>,
    %swap3A_39 = vector.shape_cast %swap3A_38 : vector<16xf32> to vector<16xf32>
    %swap3A_40 = vector.shape_cast %broadcast_in_dim3A_36 : vector<16xf32> to vector<16xf32>
    tpu.vector_store %arg7[%swap3A_37], %swap3A_40 {strides = array<i32>} : memref<640xf32, #tpu.memory_space<vmem>>, vector<16xf32>,
    %broadcast_in_dim3A_41 = arith.constant 0.000000e+00 : f32
    %broadcast_in_dim3A_42 = vector.broadcast %broadcast_in_dim3A_41 : f32 to vector<16xf32>
    %swap3A_43 = arith.constant 112 : index
    %swap3A_44 = tpu.vector_load %arg7[%swap3A_43] {strides = array<i32>} : memref<640xf32, #tpu.memory_space<vmem>>, vector<16xf32>,
    %swap3A_45 = vector.shape_cast %swap3A_44 : vector<16xf32> to vector<16xf32>
    %swap3A_46 = vector.shape_cast %broadcast_in_dim3A_42 : vector<16xf32> to vector<16xf32>
    tpu.vector_store %arg7[%swap3A_43], %swap3A_46 {strides = array<i32>} : memref<640xf32, #tpu.memory_space<vmem>>, vector<16xf32>,
    %broadcast_in_dim3A_47 = arith.constant 0.000000e+00 : f32
    %broadcast_in_dim3A_48 = vector.broadcast %broadcast_in_dim3A_47 : f32 to vector<16xf32>
    %swap3A_49 = arith.constant 128 : index
    %swap3A_50 = tpu.vector_load %arg7[%swap3A_49] {strides = array<i32>} : memref<640xf32, #tpu.memory_space<vmem>>, vector<16xf32>,
    %swap3A_51 = vector.shape_cast %swap3A_50 : vector<16xf32> to vector<16xf32>
    %swap3A_52 = vector.shape_cast %broadcast_in_dim3A_48 : vector<16xf32> to vector<16xf32>
    tpu.vector_store %arg7[%swap3A_49], %swap3A_52 {strides = array<i32>} : memref<640xf32, #tpu.memory_space<vmem>>, vector<16xf32>,
    %broadcast_in_dim3A_53 = arith.constant 0.000000e+00 : f32
    %broadcast_in_dim3A_54 = vector.broadcast %broadcast_in_dim3A_53 : f32 to vector<16xf32>
    %swap3A_55 = arith.constant 144 : index
    %swap3A_56 = tpu.vector_load %arg7[%swap3A_55] {strides = array<i32>} : memref<640xf32, #tpu.memory_space<vmem>>, vector<16xf32>,
    %swap3A_57 = vector.shape_cast %swap3A_56 : vector<16xf32> to vector<16xf32>
    %swap3A_58 = vector.shape_cast %broadcast_in_dim3A_54 : vector<16xf32> to vector<16xf32>
    tpu.vector_store %arg7[%swap3A_55], %swap3A_58 {strides = array<i32>} : memref<640xf32, #tpu.memory_space<vmem>>, vector<16xf32>,
    %broadcast_in_dim3A_59 = arith.constant 0.000000e+00 : f32
    %broadcast_in_dim3A_60 = vector.broadcast %broadcast_in_dim3A_59 : f32 to vector<16xf32>
    %swap3A_61 = arith.constant 160 : index
    %swap3A_62 = tpu.vector_load %arg7[%swap3A_61] {strides = array<i32>} : memref<640xf32, #tpu.memory_space<vmem>>, vector<16xf32>,
    %swap3A_63 = vector.shape_cast %swap3A_62 : vector<16xf32> to vector<16xf32>
    %swap3A_64 = vector.shape_cast %broadcast_in_dim3A_60 : vector<16xf32> to vector<16xf32>
    tpu.vector_store %arg7[%swap3A_61], %swap3A_64 {strides = array<i32>} : memref<640xf32, #tpu.memory_space<vmem>>, vector<16xf32>,
    %broadcast_in_dim3A_65 = arith.constant 0.000000e+00 : f32
    %broadcast_in_dim3A_66 = vector.broadcast %broadcast_in_dim3A_65 : f32 to vector<16xf32>
    %swap3A_67 = arith.constant 176 : index
    %swap3A_68 = tpu.vector_load %arg7[%swap3A_67] {strides = array<i32>} : memref<640xf32, #tpu.memory_space<vmem>>, vector<16xf32>,
    %swap3A_69 = vector.shape_cast %swap3A_68 : vector<16xf32> to vector<16xf32>
    %swap3A_70 = vector.shape_cast %broadcast_in_dim3A_66 : vector<16xf32> to vector<16xf32>
    tpu.vector_store %arg7[%swap3A_67], %swap3A_70 {strides = array<i32>} : memref<640xf32, #tpu.memory_space<vmem>>, vector<16xf32>,
    %broadcast_in_dim3A_71 = arith.constant 0.000000e+00 : f32
    %broadcast_in_dim3A_72 = vector.broadcast %broadcast_in_dim3A_71 : f32 to vector<16xf32>
    %swap3A_73 = arith.constant 192 : index
    %swap3A_74 = tpu.vector_load %arg7[%swap3A_73] {strides = array<i32>} : memref<640xf32, #tpu.memory_space<vmem>>, vector<16xf32>,
    %swap3A_75 = vector.shape_cast %swap3A_74 : vector<16xf32> to vector<16xf32>
    %swap3A_76 = vector.shape_cast %broadcast_in_dim3A_72 : vector<16xf32> to vector<16xf32>
    tpu.vector_store %arg7[%swap3A_73], %swap3A_76 {strides = array<i32>} : memref<640xf32, #tpu.memory_space<vmem>>, vector<16xf32>,
    %broadcast_in_dim3A_77 = arith.constant 0.000000e+00 : f32
    %broadcast_in_dim3A_78 = vector.broadcast %broadcast_in_dim3A_77 : f32 to vector<16xf32>
    %swap3A_79 = arith.constant 208 : index
    %swap3A_80 = tpu.vector_load %arg7[%swap3A_79] {strides = array<i32>} : memref<640xf32, #tpu.memory_space<vmem>>, vector<16xf32>,
    %swap3A_81 = vector.shape_cast %swap3A_80 : vector<16xf32> to vector<16xf32>
    %swap3A_82 = vector.shape_cast %broadcast_in_dim3A_78 : vector<16xf32> to vector<16xf32>
    tpu.vector_store %arg7[%swap3A_79], %swap3A_82 {strides = array<i32>} : memref<640xf32, #tpu.memory_space<vmem>>, vector<16xf32>,
    %broadcast_in_dim3A_83 = arith.constant 0.000000e+00 : f32
    %broadcast_in_dim3A_84 = vector.broadcast %broadcast_in_dim3A_83 : f32 to vector<16xf32>
    %swap3A_85 = arith.constant 224 : index
    %swap3A_86 = tpu.vector_load %arg7[%swap3A_85] {strides = array<i32>} : memref<640xf32, #tpu.memory_space<vmem>>, vector<16xf32>,
    %swap3A_87 = vector.shape_cast %swap3A_86 : vector<16xf32> to vector<16xf32>
    %swap3A_88 = vector.shape_cast %broadcast_in_dim3A_84 : vector<16xf32> to vector<16xf32>
    tpu.vector_store %arg7[%swap3A_85], %swap3A_88 {strides = array<i32>} : memref<640xf32, #tpu.memory_space<vmem>>, vector<16xf32>,
    %broadcast_in_dim3A_89 = arith.constant 0.000000e+00 : f32
    %broadcast_in_dim3A_90 = vector.broadcast %broadcast_in_dim3A_89 : f32 to vector<16xf32>
    %swap3A_91 = arith.constant 240 : index
    %swap3A_92 = tpu.vector_load %arg7[%swap3A_91] {strides = array<i32>} : memref<640xf32, #tpu.memory_space<vmem>>, vector<16xf32>,
    %swap3A_93 = vector.shape_cast %swap3A_92 : vector<16xf32> to vector<16xf32>
    %swap3A_94 = vector.shape_cast %broadcast_in_dim3A_90 : vector<16xf32> to vector<16xf32>
    tpu.vector_store %arg7[%swap3A_91], %swap3A_94 {strides = array<i32>} : memref<640xf32, #tpu.memory_space<vmem>>, vector<16xf32>,
    %broadcast_in_dim3A_95 = arith.constant 0.000000e+00 : f32
    %broadcast_in_dim3A_96 = vector.broadcast %broadcast_in_dim3A_95 : f32 to vector<16xf32>
    %swap3A_97 = arith.constant 256 : index
    %swap3A_98 = tpu.vector_load %arg7[%swap3A_97] {strides = array<i32>} : memref<640xf32, #tpu.memory_space<vmem>>, vector<16xf32>,
    %swap3A_99 = vector.shape_cast %swap3A_98 : vector<16xf32> to vector<16xf32>
    %swap3A_100 = vector.shape_cast %broadcast_in_dim3A_96 : vector<16xf32> to vector<16xf32>
    tpu.vector_store %arg7[%swap3A_97], %swap3A_100 {strides = array<i32>} : memref<640xf32, #tpu.memory_space<vmem>>, vector<16xf32>,
    %broadcast_in_dim3A_101 = arith.constant 0.000000e+00 : f32
    %broadcast_in_dim3A_102 = vector.broadcast %broadcast_in_dim3A_101 : f32 to vector<16xf32>
    %swap3A_103 = arith.constant 272 : index
    %swap3A_104 = tpu.vector_load %arg7[%swap3A_103] {strides = array<i32>} : memref<640xf32, #tpu.memory_space<vmem>>, vector<16xf32>,
    %swap3A_105 = vector.shape_cast %swap3A_104 : vector<16xf32> to vector<16xf32>
    %swap3A_106 = vector.shape_cast %broadcast_in_dim3A_102 : vector<16xf32> to vector<16xf32>
    tpu.vector_store %arg7[%swap3A_103], %swap3A_106 {strides = array<i32>} : memref<640xf32, #tpu.memory_space<vmem>>, vector<16xf32>,
    %broadcast_in_dim3A_107 = arith.constant 0.000000e+00 : f32
    %broadcast_in_dim3A_108 = vector.broadcast %broadcast_in_dim3A_107 : f32 to vector<16xf32>
    %swap3A_109 = arith.constant 288 : index
    %swap3A_110 = tpu.vector_load %arg7[%swap3A_109] {strides = array<i32>} : memref<640xf32, #tpu.memory_space<vmem>>, vector<16xf32>,
    %swap3A_111 = vector.shape_cast %swap3A_110 : vector<16xf32> to vector<16xf32>
    %swap3A_112 = vector.shape_cast %broadcast_in_dim3A_108 : vector<16xf32> to vector<16xf32>
    tpu.vector_store %arg7[%swap3A_109], %swap3A_112 {strides = array<i32>} : memref<640xf32, #tpu.memory_space<vmem>>, vector<16xf32>,
    %broadcast_in_dim3A_113 = arith.constant 0.000000e+00 : f32
    %broadcast_in_dim3A_114 = vector.broadcast %broadcast_in_dim3A_113 : f32 to vector<16xf32>
    %swap3A_115 = arith.constant 304 : index
    %swap3A_116 = tpu.vector_load %arg7[%swap3A_115] {strides = array<i32>} : memref<640xf32, #tpu.memory_space<vmem>>, vector<16xf32>,
    %swap3A_117 = vector.shape_cast %swap3A_116 : vector<16xf32> to vector<16xf32>
    %swap3A_118 = vector.shape_cast %broadcast_in_dim3A_114 : vector<16xf32> to vector<16xf32>
    tpu.vector_store %arg7[%swap3A_115], %swap3A_118 {strides = array<i32>} : memref<640xf32, #tpu.memory_space<vmem>>, vector<16xf32>,
    %broadcast_in_dim3A_119 = arith.constant 0.000000e+00 : f32
    %broadcast_in_dim3A_120 = vector.broadcast %broadcast_in_dim3A_119 : f32 to vector<16xf32>
    %swap3A_121 = arith.constant 320 : index
    %swap3A_122 = tpu.vector_load %arg7[%swap3A_121] {strides = array<i32>} : memref<640xf32, #tpu.memory_space<vmem>>, vector<16xf32>,
    %swap3A_123 = vector.shape_cast %swap3A_122 : vector<16xf32> to vector<16xf32>
    %swap3A_124 = vector.shape_cast %broadcast_in_dim3A_120 : vector<16xf32> to vector<16xf32>
    tpu.vector_store %arg7[%swap3A_121], %swap3A_124 {strides = array<i32>} : memref<640xf32, #tpu.memory_space<vmem>>, vector<16xf32>,
    %broadcast_in_dim3A_125 = arith.constant 0.000000e+00 : f32
    %broadcast_in_dim3A_126 = vector.broadcast %broadcast_in_dim3A_125 : f32 to vector<16xf32>
    %swap3A_127 = arith.constant 336 : index
    %swap3A_128 = tpu.vector_load %arg7[%swap3A_127] {strides = array<i32>} : memref<640xf32, #tpu.memory_space<vmem>>, vector<16xf32>,
    %swap3A_129 = vector.shape_cast %swap3A_128 : vector<16xf32> to vector<16xf32>
    %swap3A_130 = vector.shape_cast %broadcast_in_dim3A_126 : vector<16xf32> to vector<16xf32>
    tpu.vector_store %arg7[%swap3A_127], %swap3A_130 {strides = array<i32>} : memref<640xf32, #tpu.memory_space<vmem>>, vector<16xf32>,
    %broadcast_in_dim3A_131 = arith.constant 0.000000e+00 : f32
    %broadcast_in_dim3A_132 = vector.broadcast %broadcast_in_dim3A_131 : f32 to vector<16xf32>
    %swap3A_133 = arith.constant 352 : index
    %swap3A_134 = tpu.vector_load %arg7[%swap3A_133] {strides = array<i32>} : memref<640xf32, #tpu.memory_space<vmem>>, vector<16xf32>,
    %swap3A_135 = vector.shape_cast %swap3A_134 : vector<16xf32> to vector<16xf32>
    %swap3A_136 = vector.shape_cast %broadcast_in_dim3A_132 : vector<16xf32> to vector<16xf32>
    tpu.vector_store %arg7[%swap3A_133], %swap3A_136 {strides = array<i32>} : memref<640xf32, #tpu.memory_space<vmem>>, vector<16xf32>,
    %broadcast_in_dim3A_137 = arith.constant 0.000000e+00 : f32
    %broadcast_in_dim3A_138 = vector.broadcast %broadcast_in_dim3A_137 : f32 to vector<16xf32>
    %swap3A_139 = arith.constant 368 : index
    %swap3A_140 = tpu.vector_load %arg7[%swap3A_139] {strides = array<i32>} : memref<640xf32, #tpu.memory_space<vmem>>, vector<16xf32>,
    %swap3A_141 = vector.shape_cast %swap3A_140 : vector<16xf32> to vector<16xf32>
    %swap3A_142 = vector.shape_cast %broadcast_in_dim3A_138 : vector<16xf32> to vector<16xf32>
    tpu.vector_store %arg7[%swap3A_139], %swap3A_142 {strides = array<i32>} : memref<640xf32, #tpu.memory_space<vmem>>, vector<16xf32>,
    %broadcast_in_dim3A_143 = arith.constant 0.000000e+00 : f32
    %broadcast_in_dim3A_144 = vector.broadcast %broadcast_in_dim3A_143 : f32 to vector<16xf32>
    %swap3A_145 = arith.constant 384 : index
    %swap3A_146 = tpu.vector_load %arg7[%swap3A_145] {strides = array<i32>} : memref<640xf32, #tpu.memory_space<vmem>>, vector<16xf32>,
    %swap3A_147 = vector.shape_cast %swap3A_146 : vector<16xf32> to vector<16xf32>
    %swap3A_148 = vector.shape_cast %broadcast_in_dim3A_144 : vector<16xf32> to vector<16xf32>
    tpu.vector_store %arg7[%swap3A_145], %swap3A_148 {strides = array<i32>} : memref<640xf32, #tpu.memory_space<vmem>>, vector<16xf32>,
    %broadcast_in_dim3A_149 = arith.constant 0.000000e+00 : f32
    %broadcast_in_dim3A_150 = vector.broadcast %broadcast_in_dim3A_149 : f32 to vector<16xf32>
    %swap3A_151 = arith.constant 400 : index
    %swap3A_152 = tpu.vector_load %arg7[%swap3A_151] {strides = array<i32>} : memref<640xf32, #tpu.memory_space<vmem>>, vector<16xf32>,
    %swap3A_153 = vector.shape_cast %swap3A_152 : vector<16xf32> to vector<16xf32>
    %swap3A_154 = vector.shape_cast %broadcast_in_dim3A_150 : vector<16xf32> to vector<16xf32>
    tpu.vector_store %arg7[%swap3A_151], %swap3A_154 {strides = array<i32>} : memref<640xf32, #tpu.memory_space<vmem>>, vector<16xf32>,
    %broadcast_in_dim3A_155 = arith.constant 0.000000e+00 : f32
    %broadcast_in_dim3A_156 = vector.broadcast %broadcast_in_dim3A_155 : f32 to vector<16xf32>
    %swap3A_157 = arith.constant 416 : index
    %swap3A_158 = tpu.vector_load %arg7[%swap3A_157] {strides = array<i32>} : memref<640xf32, #tpu.memory_space<vmem>>, vector<16xf32>,
    %swap3A_159 = vector.shape_cast %swap3A_158 : vector<16xf32> to vector<16xf32>
    %swap3A_160 = vector.shape_cast %broadcast_in_dim3A_156 : vector<16xf32> to vector<16xf32>
    tpu.vector_store %arg7[%swap3A_157], %swap3A_160 {strides = array<i32>} : memref<640xf32, #tpu.memory_space<vmem>>, vector<16xf32>,
    %broadcast_in_dim3A_161 = arith.constant 0.000000e+00 : f32
    %broadcast_in_dim3A_162 = vector.broadcast %broadcast_in_dim3A_161 : f32 to vector<16xf32>
    %swap3A_163 = arith.constant 432 : index
    %swap3A_164 = tpu.vector_load %arg7[%swap3A_163] {strides = array<i32>} : memref<640xf32, #tpu.memory_space<vmem>>, vector<16xf32>,
    %swap3A_165 = vector.shape_cast %swap3A_164 : vector<16xf32> to vector<16xf32>
    %swap3A_166 = vector.shape_cast %broadcast_in_dim3A_162 : vector<16xf32> to vector<16xf32>
    tpu.vector_store %arg7[%swap3A_163], %swap3A_166 {strides = array<i32>} : memref<640xf32, #tpu.memory_space<vmem>>, vector<16xf32>,
    %broadcast_in_dim3A_167 = arith.constant 0.000000e+00 : f32
    %broadcast_in_dim3A_168 = vector.broadcast %broadcast_in_dim3A_167 : f32 to vector<16xf32>
    %swap3A_169 = arith.constant 448 : index
    %swap3A_170 = tpu.vector_load %arg7[%swap3A_169] {strides = array<i32>} : memref<640xf32, #tpu.memory_space<vmem>>, vector<16xf32>,
    %swap3A_171 = vector.shape_cast %swap3A_170 : vector<16xf32> to vector<16xf32>
    %swap3A_172 = vector.shape_cast %broadcast_in_dim3A_168 : vector<16xf32> to vector<16xf32>
    tpu.vector_store %arg7[%swap3A_169], %swap3A_172 {strides = array<i32>} : memref<640xf32, #tpu.memory_space<vmem>>, vector<16xf32>,
    %broadcast_in_dim3A_173 = arith.constant 0.000000e+00 : f32
    %broadcast_in_dim3A_174 = vector.broadcast %broadcast_in_dim3A_173 : f32 to vector<16xf32>
    %swap3A_175 = arith.constant 464 : index
    %swap3A_176 = tpu.vector_load %arg7[%swap3A_175] {strides = array<i32>} : memref<640xf32, #tpu.memory_space<vmem>>, vector<16xf32>,
    %swap3A_177 = vector.shape_cast %swap3A_176 : vector<16xf32> to vector<16xf32>
    %swap3A_178 = vector.shape_cast %broadcast_in_dim3A_174 : vector<16xf32> to vector<16xf32>
    tpu.vector_store %arg7[%swap3A_175], %swap3A_178 {strides = array<i32>} : memref<640xf32, #tpu.memory_space<vmem>>, vector<16xf32>,
    %broadcast_in_dim3A_179 = arith.constant 0.000000e+00 : f32
    %broadcast_in_dim3A_180 = vector.broadcast %broadcast_in_dim3A_179 : f32 to vector<16xf32>
    %swap3A_181 = arith.constant 480 : index
    %swap3A_182 = tpu.vector_load %arg7[%swap3A_181] {strides = array<i32>} : memref<640xf32, #tpu.memory_space<vmem>>, vector<16xf32>,
    %swap3A_183 = vector.shape_cast %swap3A_182 : vector<16xf32> to vector<16xf32>
    %swap3A_184 = vector.shape_cast %broadcast_in_dim3A_180 : vector<16xf32> to vector<16xf32>
    tpu.vector_store %arg7[%swap3A_181], %swap3A_184 {strides = array<i32>} : memref<640xf32, #tpu.memory_space<vmem>>, vector<16xf32>,
    %broadcast_in_dim3A_185 = arith.constant 0.000000e+00 : f32
    %broadcast_in_dim3A_186 = vector.broadcast %broadcast_in_dim3A_185 : f32 to vector<16xf32>
    %swap3A_187 = arith.constant 496 : index
    %swap3A_188 = tpu.vector_load %arg7[%swap3A_187] {strides = array<i32>} : memref<640xf32, #tpu.memory_space<vmem>>, vector<16xf32>,
    %swap3A_189 = vector.shape_cast %swap3A_188 : vector<16xf32> to vector<16xf32>
    %swap3A_190 = vector.shape_cast %broadcast_in_dim3A_186 : vector<16xf32> to vector<16xf32>
    tpu.vector_store %arg7[%swap3A_187], %swap3A_190 {strides = array<i32>} : memref<640xf32, #tpu.memory_space<vmem>>, vector<16xf32>,
    %broadcast_in_dim3A_191 = arith.constant 0.000000e+00 : f32
    %broadcast_in_dim3A_192 = vector.broadcast %broadcast_in_dim3A_191 : f32 to vector<16xf32>
    %swap3A_193 = arith.constant 512 : index
    %swap3A_194 = tpu.vector_load %arg7[%swap3A_193] {strides = array<i32>} : memref<640xf32, #tpu.memory_space<vmem>>, vector<16xf32>,
    %swap3A_195 = vector.shape_cast %swap3A_194 : vector<16xf32> to vector<16xf32>
    %swap3A_196 = vector.shape_cast %broadcast_in_dim3A_192 : vector<16xf32> to vector<16xf32>
    tpu.vector_store %arg7[%swap3A_193], %swap3A_196 {strides = array<i32>} : memref<640xf32, #tpu.memory_space<vmem>>, vector<16xf32>,
    %broadcast_in_dim3A_197 = arith.constant 0.000000e+00 : f32
    %broadcast_in_dim3A_198 = vector.broadcast %broadcast_in_dim3A_197 : f32 to vector<16xf32>
    %swap3A_199 = arith.constant 528 : index
    %swap3A_200 = tpu.vector_load %arg7[%swap3A_199] {strides = array<i32>} : memref<640xf32, #tpu.memory_space<vmem>>, vector<16xf32>,
    %swap3A_201 = vector.shape_cast %swap3A_200 : vector<16xf32> to vector<16xf32>
    %swap3A_202 = vector.shape_cast %broadcast_in_dim3A_198 : vector<16xf32> to vector<16xf32>
    tpu.vector_store %arg7[%swap3A_199], %swap3A_202 {strides = array<i32>} : memref<640xf32, #tpu.memory_space<vmem>>, vector<16xf32>,
    %broadcast_in_dim3A_203 = arith.constant 0.000000e+00 : f32
    %broadcast_in_dim3A_204 = vector.broadcast %broadcast_in_dim3A_203 : f32 to vector<16xf32>
    %swap3A_205 = arith.constant 544 : index
    %swap3A_206 = tpu.vector_load %arg7[%swap3A_205] {strides = array<i32>} : memref<640xf32, #tpu.memory_space<vmem>>, vector<16xf32>,
    %swap3A_207 = vector.shape_cast %swap3A_206 : vector<16xf32> to vector<16xf32>
    %swap3A_208 = vector.shape_cast %broadcast_in_dim3A_204 : vector<16xf32> to vector<16xf32>
    tpu.vector_store %arg7[%swap3A_205], %swap3A_208 {strides = array<i32>} : memref<640xf32, #tpu.memory_space<vmem>>, vector<16xf32>,
    %broadcast_in_dim3A_209 = arith.constant 0.000000e+00 : f32
    %broadcast_in_dim3A_210 = vector.broadcast %broadcast_in_dim3A_209 : f32 to vector<16xf32>
    %swap3A_211 = arith.constant 560 : index
    %swap3A_212 = tpu.vector_load %arg7[%swap3A_211] {strides = array<i32>} : memref<640xf32, #tpu.memory_space<vmem>>, vector<16xf32>,
    %swap3A_213 = vector.shape_cast %swap3A_212 : vector<16xf32> to vector<16xf32>
    %swap3A_214 = vector.shape_cast %broadcast_in_dim3A_210 : vector<16xf32> to vector<16xf32>
    tpu.vector_store %arg7[%swap3A_211], %swap3A_214 {strides = array<i32>} : memref<640xf32, #tpu.memory_space<vmem>>, vector<16xf32>,
    %broadcast_in_dim3A_215 = arith.constant 0.000000e+00 : f32
    %broadcast_in_dim3A_216 = vector.broadcast %broadcast_in_dim3A_215 : f32 to vector<16xf32>
    %swap3A_217 = arith.constant 576 : index
    %swap3A_218 = tpu.vector_load %arg7[%swap3A_217] {strides = array<i32>} : memref<640xf32, #tpu.memory_space<vmem>>, vector<16xf32>,
    %swap3A_219 = vector.shape_cast %swap3A_218 : vector<16xf32> to vector<16xf32>
    %swap3A_220 = vector.shape_cast %broadcast_in_dim3A_216 : vector<16xf32> to vector<16xf32>
    tpu.vector_store %arg7[%swap3A_217], %swap3A_220 {strides = array<i32>} : memref<640xf32, #tpu.memory_space<vmem>>, vector<16xf32>,
    %broadcast_in_dim3A_221 = arith.constant 0.000000e+00 : f32
    %broadcast_in_dim3A_222 = vector.broadcast %broadcast_in_dim3A_221 : f32 to vector<16xf32>
    %swap3A_223 = arith.constant 592 : index
    %swap3A_224 = tpu.vector_load %arg7[%swap3A_223] {strides = array<i32>} : memref<640xf32, #tpu.memory_space<vmem>>, vector<16xf32>,
    %swap3A_225 = vector.shape_cast %swap3A_224 : vector<16xf32> to vector<16xf32>
    %swap3A_226 = vector.shape_cast %broadcast_in_dim3A_222 : vector<16xf32> to vector<16xf32>
    tpu.vector_store %arg7[%swap3A_223], %swap3A_226 {strides = array<i32>} : memref<640xf32, #tpu.memory_space<vmem>>, vector<16xf32>,
    %broadcast_in_dim3A_227 = arith.constant 0.000000e+00 : f32
    %broadcast_in_dim3A_228 = vector.broadcast %broadcast_in_dim3A_227 : f32 to vector<16xf32>
    %swap3A_229 = arith.constant 608 : index
    %swap3A_230 = tpu.vector_load %arg7[%swap3A_229] {strides = array<i32>} : memref<640xf32, #tpu.memory_space<vmem>>, vector<16xf32>,
    %swap3A_231 = vector.shape_cast %swap3A_230 : vector<16xf32> to vector<16xf32>
    %swap3A_232 = vector.shape_cast %broadcast_in_dim3A_228 : vector<16xf32> to vector<16xf32>
    tpu.vector_store %arg7[%swap3A_229], %swap3A_232 {strides = array<i32>} : memref<640xf32, #tpu.memory_space<vmem>>, vector<16xf32>,
    %broadcast_in_dim3A_233 = arith.constant 0.000000e+00 : f32
    %broadcast_in_dim3A_234 = vector.broadcast %broadcast_in_dim3A_233 : f32 to vector<16xf32>
    %swap3A_235 = arith.constant 624 : index
    %swap3A_236 = tpu.vector_load %arg7[%swap3A_235] {strides = array<i32>} : memref<640xf32, #tpu.memory_space<vmem>>, vector<16xf32>,
    %swap3A_237 = vector.shape_cast %swap3A_236 : vector<16xf32> to vector<16xf32>
    %swap3A_238 = vector.shape_cast %broadcast_in_dim3A_234 : vector<16xf32> to vector<16xf32>
    tpu.vector_store %arg7[%swap3A_235], %swap3A_238 {strides = array<i32>} : memref<640xf32, #tpu.memory_space<vmem>>, vector<16xf32>,
    %broadcast_in_dim3A_239 = arith.constant 1.000000e+00 : f32
    %broadcast_in_dim3A_240 = vector.broadcast %broadcast_in_dim3A_239 : f32 to vector<16xf32>
    %swap3A_241 = arith.constant 0 : index
    %swap3A_242 = tpu.vector_load %arg6[%swap3A_241] {strides = array<i32>} : memref<64xf32, #tpu.memory_space<vmem>>, vector<16xf32>,
    %swap3A_243 = vector.shape_cast %swap3A_242 : vector<16xf32> to vector<16xf32>
    %swap3A_244 = vector.shape_cast %broadcast_in_dim3A_240 : vector<16xf32> to vector<16xf32>
    tpu.vector_store %arg6[%swap3A_241], %swap3A_244 {strides = array<i32>} : memref<64xf32, #tpu.memory_space<vmem>>, vector<16xf32>,
    %broadcast_in_dim3A_245 = arith.constant 1.000000e+00 : f32
    %broadcast_in_dim3A_246 = vector.broadcast %broadcast_in_dim3A_245 : f32 to vector<16xf32>
    %swap3A_247 = arith.constant 16 : index
    %swap3A_248 = tpu.vector_load %arg6[%swap3A_247] {strides = array<i32>} : memref<64xf32, #tpu.memory_space<vmem>>, vector<16xf32>,
    %swap3A_249 = vector.shape_cast %swap3A_248 : vector<16xf32> to vector<16xf32>
    %swap3A_250 = vector.shape_cast %broadcast_in_dim3A_246 : vector<16xf32> to vector<16xf32>
    tpu.vector_store %arg6[%swap3A_247], %swap3A_250 {strides = array<i32>} : memref<64xf32, #tpu.memory_space<vmem>>, vector<16xf32>,
    %broadcast_in_dim3A_251 = arith.constant 1.000000e+00 : f32
    %broadcast_in_dim3A_252 = vector.broadcast %broadcast_in_dim3A_251 : f32 to vector<16xf32>
    %swap3A_253 = arith.constant 32 : index
    %swap3A_254 = tpu.vector_load %arg6[%swap3A_253] {strides = array<i32>} : memref<64xf32, #tpu.memory_space<vmem>>, vector<16xf32>,
    %swap3A_255 = vector.shape_cast %swap3A_254 : vector<16xf32> to vector<16xf32>
    %swap3A_256 = vector.shape_cast %broadcast_in_dim3A_252 : vector<16xf32> to vector<16xf32>
    tpu.vector_store %arg6[%swap3A_253], %swap3A_256 {strides = array<i32>} : memref<64xf32, #tpu.memory_space<vmem>>, vector<16xf32>,
    %broadcast_in_dim3A_257 = arith.constant 1.000000e+00 : f32
    %broadcast_in_dim3A_258 = vector.broadcast %broadcast_in_dim3A_257 : f32 to vector<16xf32>
    %swap3A_259 = arith.constant 48 : index
    %swap3A_260 = tpu.vector_load %arg6[%swap3A_259] {strides = array<i32>} : memref<64xf32, #tpu.memory_space<vmem>>, vector<16xf32>,
    %swap3A_261 = vector.shape_cast %swap3A_260 : vector<16xf32> to vector<16xf32>
    %swap3A_262 = vector.shape_cast %broadcast_in_dim3A_258 : vector<16xf32> to vector<16xf32>
    tpu.vector_store %arg6[%swap3A_259], %swap3A_262 {strides = array<i32>} : memref<64xf32, #tpu.memory_space<vmem>>, vector<16xf32>,
    %mul3A_263 = arith.constant 640 : i32
    %mul3A_264 = arith.muli %arg1, %mul3A_263 : i32
    "tpu.region"() ({
      %run_scoped3A = tpu.sem_alloc : memref<!tpu.dma_semaphore, #tpu.memory_space<semaphore_mem>>
      %dma_start3A = tpu.memref_slice %arg8[%mul3A_264] : memref<10240xf32, #tpu.memory_space<vmem_shared>> -> memref<640xf32, #tpu.memory_space<vmem_shared>>
      %dma_start3A_278 = tpu.memref_slice %arg8[%mul3A_264] : memref<10240xf32, #tpu.memory_space<vmem_shared>> -> memref<640xf32, #tpu.memory_space<vmem_shared>>
      tpu.enqueue_dma source(%arg7 : memref<640xf32, #tpu.memory_space<vmem>>) target(%dma_start3A_278 : memref<640xf32, #tpu.memory_space<vmem_shared>>) target_semaphore(%run_scoped3A : memref<!tpu.dma_semaphore, #tpu.memory_space<semaphore_mem>>)
      %dma_wait3A = tpu.memref_slice %arg8[%mul3A_264] : memref<10240xf32, #tpu.memory_space<vmem_shared>> -> memref<640xf32, #tpu.memory_space<vmem_shared>>
      %dma_wait3A_279 = tpu.memref_slice %arg8[%mul3A_264] : memref<10240xf32, #tpu.memory_space<vmem_shared>> -> memref<640xf32, #tpu.memory_space<vmem_shared>>
      tpu.wait_dma2 semaphore(%run_scoped3A : memref<!tpu.dma_semaphore, #tpu.memory_space<semaphore_mem>>) src(%arg7 : memref<640xf32, #tpu.memory_space<vmem>>) dst(%dma_wait3A_279 : memref<640xf32, #tpu.memory_space<vmem_shared>>)
      tpu.yield
    }) : () -> ()
    "tpu.region"() ({
      %run_scoped3A = tpu.sem_alloc : memref<!tpu.dma_semaphore, #tpu.memory_space<semaphore_mem>>
      %dma_start3A = arith.constant 0 : i32
      %dma_start3A_278 = arith.constant 0 : i32
      %dma_start3A_279 = tpu.memref_slice %arg2[%add3A, %dma_start3A, %dma_start3A_278] : memref<32x160x64xi32, #tpu.memory_space<hbm>> -> memref<1x160x64xi32, #tpu.memory_space<hbm>>
      %dma_start3A_280 = tpu.memref_squeeze %dma_start3A_279 : memref<1x160x64xi32, #tpu.memory_space<hbm>> -> memref<160x64xi32, #tpu.memory_space<hbm>>
      %dma_start3A_281 = arith.constant 0 : i32
      %dma_start3A_282 = arith.constant 0 : i32
      %dma_start3A_283 = tpu.memref_slice %arg2[%add3A, %dma_start3A_281, %dma_start3A_282] : memref<32x160x64xi32, #tpu.memory_space<hbm>> -> memref<1x160x64xi32, #tpu.memory_space<hbm>>
      %dma_start3A_284 = tpu.memref_squeeze %dma_start3A_283 : memref<1x160x64xi32, #tpu.memory_space<hbm>> -> memref<160x64xi32, #tpu.memory_space<hbm>>
      tpu.enqueue_dma source(%dma_start3A_284 : memref<160x64xi32, #tpu.memory_space<hbm>>) target(%arg5 : memref<160x64xi32, #tpu.memory_space<vmem>>) target_semaphore(%run_scoped3A : memref<!tpu.dma_semaphore, #tpu.memory_space<semaphore_mem>>)
      %dma_wait3A = arith.constant 0 : i32
      %dma_wait3A_285 = arith.constant 0 : i32
      %dma_wait3A_286 = tpu.memref_slice %arg2[%add3A, %dma_wait3A, %dma_wait3A_285] : memref<32x160x64xi32, #tpu.memory_space<hbm>> -> memref<1x160x64xi32, #tpu.memory_space<hbm>>
      %dma_wait3A_287 = tpu.memref_squeeze %dma_wait3A_286 : memref<1x160x64xi32, #tpu.memory_space<hbm>> -> memref<160x64xi32, #tpu.memory_space<hbm>>
      %dma_wait3A_288 = arith.constant 0 : i32
      %dma_wait3A_289 = arith.constant 0 : i32
      %dma_wait3A_290 = tpu.memref_slice %arg2[%add3A, %dma_wait3A_288, %dma_wait3A_289] : memref<32x160x64xi32, #tpu.memory_space<hbm>> -> memref<1x160x64xi32, #tpu.memory_space<hbm>>
      %dma_wait3A_291 = tpu.memref_squeeze %dma_wait3A_290 : memref<1x160x64xi32, #tpu.memory_space<hbm>> -> memref<160x64xi32, #tpu.memory_space<hbm>>
      tpu.wait_dma2 semaphore(%run_scoped3A : memref<!tpu.dma_semaphore, #tpu.memory_space<semaphore_mem>>) src(%dma_wait3A_291 : memref<160x64xi32, #tpu.memory_space<hbm>>) dst(%arg5 : memref<160x64xi32, #tpu.memory_space<vmem>>)
      tpu.yield
    }) : () -> ()
    %barrier3A = arith.constant 0 : index
    tpu.barrier barrier_id(%barrier3A)
    %scan3A = arith.constant 0 : i32
    %scan3A_265 = arith.constant 0 : i32
    %scan3A_266 = arith.constant 160 : i32
    %scan3A_267 = arith.addi %scan3A_265, %scan3A_266 : i32
    %scan3A_268 = arith.constant 1 : i32
    scf.for %scan3A_278 = %scan3A_265 to %scan3A_267 step %scan3A_268  : i32 {
      "tpu.region"() ({
        %run_scoped3A = tpu.sem_alloc : memref<!tpu.dma_semaphore, #tpu.memory_space<semaphore_mem>>
        %dma_start3A = arith.constant 0 : i32
        %dma_start3A_279 = tpu.memref_slice %arg5[%scan3A_278, %dma_start3A] : memref<160x64xi32, #tpu.memory_space<vmem>> -> memref<1x64xi32, #tpu.memory_space<vmem>>
        %dma_start3A_280 = tpu.memref_squeeze %dma_start3A_279 : memref<1x64xi32, #tpu.memory_space<vmem>> -> memref<64xi32, #tpu.memory_space<vmem>>
        %dma_start3A_281 = arith.constant 0 : i32
        %dma_start3A_282 = tpu.memref_slice %arg8[%dma_start3A_281] : memref<10240xf32, #tpu.memory_space<vmem_shared>> -> memref<10240xf32, #tpu.memory_space<vmem_shared>>
        tpu.enqueue_indirect_dma source(%arg6 : memref<64xf32, #tpu.memory_space<vmem>>) target(%dma_start3A_282 : memref<10240xf32, #tpu.memory_space<vmem_shared>>) offsets(%dma_start3A_280 : memref<64xi32, #tpu.memory_space<vmem>>) semaphore(%run_scoped3A : memref<!tpu.dma_semaphore, #tpu.memory_space<semaphore_mem>>) {add = true}
        %dma_wait3A = arith.constant 0 : i32
        %dma_wait3A_283 = tpu.memref_slice %arg5[%scan3A_278, %dma_wait3A] : memref<160x64xi32, #tpu.memory_space<vmem>> -> memref<1x64xi32, #tpu.memory_space<vmem>>
        %dma_wait3A_284 = tpu.memref_squeeze %dma_wait3A_283 : memref<1x64xi32, #tpu.memory_space<vmem>> -> memref<64xi32, #tpu.memory_space<vmem>>
        %dma_wait3A_285 = arith.constant 0 : i32
        %dma_wait3A_286 = tpu.memref_slice %arg8[%dma_wait3A_285] : memref<10240xf32, #tpu.memory_space<vmem_shared>> -> memref<10240xf32, #tpu.memory_space<vmem_shared>>
        tpu.wait_indirect_dma semaphore(%run_scoped3A : memref<!tpu.dma_semaphore, #tpu.memory_space<semaphore_mem>>) src(%arg6 : memref<64xf32, #tpu.memory_space<vmem>>) dst(%dma_wait3A_286 : memref<10240xf32, #tpu.memory_space<vmem_shared>>)
        tpu.yield
      }) : () -> ()
    }
    %scan3A_269 = arith.constant 160 : i32
    %barrier3A_270 = arith.constant 0 : index
    tpu.barrier barrier_id(%barrier3A_270)
    %eq3A = arith.constant 0 : i32
    %eq3A_271 = arith.cmpi eq, %arg0, %eq3A : i32
    %convert_element_type3A = arith.extui %eq3A_271 : i1 to i32
    %cond3A = arith.constant 0 : i32
    %cond3A_272 = arith.cmpi ne, %convert_element_type3A, %cond3A : i32
    scf.if %cond3A_272 {
      %mul3A_278 = arith.constant 640 : i32
      %mul3A_279 = arith.muli %arg1, %mul3A_278 : i32
      %mul3A_280 = arith.constant 640 : i32
      %mul3A_281 = arith.muli %arg1, %mul3A_280 : i32
      "tpu.region"() ({
        %run_scoped3A = tpu.sem_alloc : memref<!tpu.dma_semaphore, #tpu.memory_space<semaphore_mem>>
        %dma_start3A = tpu.memref_slice %arg3[%mul3A_281] : memref<10240xf32, #tpu.memory_space<hbm>> -> memref<640xf32, #tpu.memory_space<hbm>>
        %dma_start3A_282 = tpu.memref_slice %arg8[%mul3A_279] : memref<10240xf32, #tpu.memory_space<vmem_shared>> -> memref<640xf32, #tpu.memory_space<vmem_shared>>
        tpu.enqueue_dma source(%dma_start3A_282 : memref<640xf32, #tpu.memory_space<vmem_shared>>) target(%dma_start3A : memref<640xf32, #tpu.memory_space<hbm>>) target_semaphore(%run_scoped3A : memref<!tpu.dma_semaphore, #tpu.memory_space<semaphore_mem>>)
        %dma_wait3A = tpu.memref_slice %arg3[%mul3A_281] : memref<10240xf32, #tpu.memory_space<hbm>> -> memref<640xf32, #tpu.memory_space<hbm>>
        %dma_wait3A_283 = tpu.memref_slice %arg8[%mul3A_279] : memref<10240xf32, #tpu.memory_space<vmem_shared>> -> memref<640xf32, #tpu.memory_space<vmem_shared>>
        tpu.wait_dma2 semaphore(%run_scoped3A : memref<!tpu.dma_semaphore, #tpu.memory_space<semaphore_mem>>) src(%dma_wait3A_283 : memref<640xf32, #tpu.memory_space<vmem_shared>>) dst(%dma_wait3A : memref<640xf32, #tpu.memory_space<hbm>>)
        tpu.yield
      }) : () -> ()
    } else {
    }
    %eq3A_273 = arith.constant 1 : i32
    %eq3A_274 = arith.cmpi eq, %arg0, %eq3A_273 : i32
    %convert_element_type3A_275 = arith.extui %eq3A_274 : i1 to i32
    %cond3A_276 = arith.constant 0 : i32
    %cond3A_277 = arith.cmpi ne, %convert_element_type3A_275, %cond3A_276 : i32
    scf.if %cond3A_277 {
      %mul3A_278 = arith.constant 640 : i32
      %mul3A_279 = arith.muli %arg1, %mul3A_278 : i32
      %mul3A_280 = arith.constant 640 : i32
      %mul3A_281 = arith.muli %arg1, %mul3A_280 : i32
      "tpu.region"() ({
        %run_scoped3A = tpu.sem_alloc : memref<!tpu.dma_semaphore, #tpu.memory_space<semaphore_mem>>
        %dma_start3A = tpu.memref_slice %arg4[%mul3A_281] : memref<10240xf32, #tpu.memory_space<hbm>> -> memref<640xf32, #tpu.memory_space<hbm>>
        %dma_start3A_282 = tpu.memref_slice %arg8[%mul3A_279] : memref<10240xf32, #tpu.memory_space<vmem_shared>> -> memref<640xf32, #tpu.memory_space<vmem_shared>>
        tpu.enqueue_dma source(%dma_start3A_282 : memref<640xf32, #tpu.memory_space<vmem_shared>>) target(%dma_start3A : memref<640xf32, #tpu.memory_space<hbm>>) target_semaphore(%run_scoped3A : memref<!tpu.dma_semaphore, #tpu.memory_space<semaphore_mem>>)
        %dma_wait3A = tpu.memref_slice %arg4[%mul3A_281] : memref<10240xf32, #tpu.memory_space<hbm>> -> memref<640xf32, #tpu.memory_space<hbm>>
        %dma_wait3A_283 = tpu.memref_slice %arg8[%mul3A_279] : memref<10240xf32, #tpu.memory_space<vmem_shared>> -> memref<640xf32, #tpu.memory_space<vmem_shared>>
        tpu.wait_dma2 semaphore(%run_scoped3A : memref<!tpu.dma_semaphore, #tpu.memory_space<semaphore_mem>>) src(%dma_wait3A_283 : memref<640xf32, #tpu.memory_space<vmem_shared>>) dst(%dma_wait3A : memref<640xf32, #tpu.memory_space<hbm>>)
        tpu.yield
      }) : () -> ()
    } else {
    }
    return
  }
}

module attributes {stable_mosaic.version = 14 : i64} {
  func.func @_mmA_body(%arg0: i32, %arg1: memref<640x1xf32, #tpu.memory_space<vmem>>, %arg2: memref<640x1xf32, #tpu.memory_space<vmem>>, %arg3: memref<640x128xf32, #tpu.memory_space<vmem>>, %arg4: memref<128x128xf32, #tpu.memory_space<vmem>>, %arg5: memref<640x128xf32, #tpu.memory_space<vmem>>, %arg6: memref<640x1xf32, #tpu.memory_space<vmem>>) attributes {dimension_semantics = [#tpu.dimension_semantics<arbitrary>], iteration_bounds = array<i64: 16>, scalar_prefetch = 0 : i64, scratch_operands = 0 : i64, tpu.core_type = #tpu.core_type<tc>, window_params = [{transform_indices = @transform_0, window_bounds = array<i64: 640, 1>}, {transform_indices = @transform_1, window_bounds = array<i64: 640, 1>}, {transform_indices = @transform_2, window_bounds = array<i64: 640, 128>}, {pipeline_mode = #tpu.pipeline_mode<synchronous>, transform_indices = @transform_3, window_bounds = array<i64: 128, 128>}, {transform_indices = @transform_4, window_bounds = array<i64: 640, 128>}, {transform_indices = @transform_5, window_bounds = array<i64: 640, 1>}]} {
    %get3A = arith.constant 0 : index
    %get3A_0 = arith.constant 0 : index
    %get3A_1 = vector.load %arg1[%get3A, %get3A_0] : memref<640x1xf32, #tpu.memory_space<vmem>>, vector<640x1xf32>
    %get3A_2 = arith.constant 0 : index
    %get3A_3 = arith.constant 0 : index
    %get3A_4 = vector.load %arg2[%get3A_2, %get3A_3] : memref<640x1xf32, #tpu.memory_space<vmem>>, vector<640x1xf32>
    %add3A = arith.addf %get3A_1, %get3A_4 : vector<640x1xf32>
    %add3A_5 = arith.constant 1.000000e+00 : f32
    %add3A_6 = vector.broadcast %add3A_5 : f32 to vector<640x1xf32>
    %add3A_7 = arith.addf %add3A, %add3A_6 : vector<640x1xf32>
    %rsqrt3A = math.rsqrt %add3A_7 : vector<640x1xf32>
    %get3A_8 = arith.constant 0 : index
    %get3A_9 = arith.constant 0 : index
    %get3A_10 = vector.load %arg3[%get3A_8, %get3A_9] : memref<640x128xf32, #tpu.memory_space<vmem>>, vector<640x128xf32>
    %get3A_11 = arith.constant 0 : index
    %get3A_12 = arith.constant 0 : index
    %get3A_13 = vector.load %arg4[%get3A_11, %get3A_12] : memref<128x128xf32, #tpu.memory_space<vmem>>, vector<128x128xf32>
    %dot_general3A = arith.constant dense<0.000000e+00> : vector<640x128xf32>
    %dot_general3A_14 = tpu.matmul %get3A_10, %get3A_13, %dot_general3A {dimension_numbers = #tpu.dot_dimension_numbers<[1], [0], [0], [1], [0, 0, 1, 1], [], []>, transpose_lhs_hint = false} : vector<640x128xf32>, vector<128x128xf32>, vector<640x128xf32> -> vector<640x128xf32>
    %mul3A = vector.broadcast %rsqrt3A : vector<640x1xf32> to vector<640x128xf32>
    %mul3A_15 = arith.mulf %mul3A, %dot_general3A_14 : vector<640x128xf32>
    %swap3A = arith.constant 0 : index
    %swap3A_16 = arith.constant 0 : index
    %swap3A_17 = vector.load %arg5[%swap3A, %swap3A_16] : memref<640x128xf32, #tpu.memory_space<vmem>>, vector<640x128xf32>
    tpu.vector_store %arg5[%swap3A, %swap3A_16], %mul3A_15 {strides = array<i32>} : memref<640x128xf32, #tpu.memory_space<vmem>>, vector<640x128xf32>,
    %swap3A_18 = arith.constant 0 : index
    %swap3A_19 = arith.constant 0 : index
    %swap3A_20 = vector.load %arg6[%swap3A_18, %swap3A_19] : memref<640x1xf32, #tpu.memory_space<vmem>>, vector<640x1xf32>
    tpu.vector_store %arg6[%swap3A_18, %swap3A_19], %rsqrt3A {strides = array<i32>} : memref<640x1xf32, #tpu.memory_space<vmem>>, vector<640x1xf32>,
    return
  }
  func.func @transform_0(%arg0: i32) -> (i32, i32) {
    %c0_i32 = arith.constant 0 : i32
    %c0_i32_0 = arith.constant 0 : i32
    return %arg0, %c0_i32 : i32, i32
  }
  func.func @transform_1(%arg0: i32) -> (i32, i32) {
    %c0_i32 = arith.constant 0 : i32
    %c0_i32_0 = arith.constant 0 : i32
    return %arg0, %c0_i32 : i32, i32
  }
  func.func @transform_2(%arg0: i32) -> (i32, i32) {
    %c0_i32 = arith.constant 0 : i32
    %c0_i32_0 = arith.constant 0 : i32
    return %arg0, %c0_i32 : i32, i32
  }
  func.func @transform_3(%arg0: i32) -> (i32, i32) {
    %c0_i32 = arith.constant 0 : i32
    %c0_i32_0 = arith.constant 0 : i32
    %c0_i32_1 = arith.constant 0 : i32
    return %c0_i32, %c0_i32_0 : i32, i32
  }
  func.func @transform_4(%arg0: i32) -> (i32, i32) {
    %c0_i32 = arith.constant 0 : i32
    %c0_i32_0 = arith.constant 0 : i32
    return %arg0, %c0_i32 : i32, i32
  }
  func.func @transform_5(%arg0: i32) -> (i32, i32) {
    %c0_i32 = arith.constant 0 : i32
    %c0_i32_0 = arith.constant 0 : i32
    return %arg0, %c0_i32 : i32, i32
  }
}

module attributes {stable_mosaic.version = 14 : i64} {
  func.func @_mmB_body(%arg0: i32, %arg1: memref<2x640x128xf32, #tpu.memory_space<vmem>>, %arg2: memref<640x128xf32, #tpu.memory_space<vmem>>, %arg3: memref<640x1xf32, #tpu.memory_space<vmem>>, %arg4: memref<128x128xf32, #tpu.memory_space<vmem>>, %arg5: memref<1x128xf32, #tpu.memory_space<vmem>>, %arg6: memref<640x128xf32, #tpu.memory_space<vmem>>) attributes {dimension_semantics = [#tpu.dimension_semantics<arbitrary>], iteration_bounds = array<i64: 16>, scalar_prefetch = 0 : i64, scratch_operands = 0 : i64, tpu.core_type = #tpu.core_type<tc>, window_params = [{transform_indices = @transform_0, window_bounds = array<i64: 2, 640, 128>}, {transform_indices = @transform_1, window_bounds = array<i64: 640, 128>}, {transform_indices = @transform_2, window_bounds = array<i64: 640, 1>}, {pipeline_mode = #tpu.pipeline_mode<synchronous>, transform_indices = @transform_3, window_bounds = array<i64: 128, 128>}, {pipeline_mode = #tpu.pipeline_mode<synchronous>, transform_indices = @transform_4, window_bounds = array<i64: 1, 128>}, {transform_indices = @transform_5, window_bounds = array<i64: 640, 128>}]} {
    %get3A = arith.constant 0 : index
    %get3A_0 = arith.constant 0 : index
    %get3A_1 = arith.constant 0 : index
    %get3A_2 = vector.load %arg1[%get3A, %get3A_0, %get3A_1] : memref<2x640x128xf32, #tpu.memory_space<vmem>>, vector<2x640x128xf32>
    %slice3A = vector.extract_strided_slice %get3A_2 {offsets = [0, 0, 0], sizes = [1, 640, 128], strides = [1, 1, 1]} : vector<2x640x128xf32> to vector<1x640x128xf32>
    %squeeze3A = vector.shape_cast %slice3A : vector<1x640x128xf32> to vector<640x128xf32>
    %slice3A_3 = vector.extract_strided_slice %get3A_2 {offsets = [1, 0, 0], sizes = [1, 640, 128], strides = [1, 1, 1]} : vector<2x640x128xf32> to vector<1x640x128xf32>
    %squeeze3A_4 = vector.shape_cast %slice3A_3 : vector<1x640x128xf32> to vector<640x128xf32>
    %add3A = arith.addf %squeeze3A, %squeeze3A_4 : vector<640x128xf32>
    %get3A_5 = arith.constant 0 : index
    %get3A_6 = arith.constant 0 : index
    %get3A_7 = vector.load %arg2[%get3A_5, %get3A_6] : memref<640x128xf32, #tpu.memory_space<vmem>>, vector<640x128xf32>
    %sub3A = arith.subf %add3A, %get3A_7 : vector<640x128xf32>
    %get3A_8 = arith.constant 0 : index
    %get3A_9 = arith.constant 0 : index
    %get3A_10 = vector.load %arg3[%get3A_8, %get3A_9] : memref<640x1xf32, #tpu.memory_space<vmem>>, vector<640x1xf32>
    %mul3A = vector.broadcast %get3A_10 : vector<640x1xf32> to vector<640x128xf32>
    %mul3A_11 = arith.mulf %mul3A, %sub3A : vector<640x128xf32>
    %get3A_12 = arith.constant 0 : index
    %get3A_13 = arith.constant 0 : index
    %get3A_14 = vector.load %arg5[%get3A_12, %get3A_13] : memref<1x128xf32, #tpu.memory_space<vmem>>, vector<1x128xf32>
    %add3A_15 = vector.broadcast %get3A_14 : vector<1x128xf32> to vector<640x128xf32>
    %add3A_16 = arith.addf %mul3A_11, %add3A_15 : vector<640x128xf32>
    %max3A = arith.constant 0.000000e+00 : f32
    %max3A_17 = vector.broadcast %max3A : f32 to vector<640x128xf32>
    %max3A_18 = arith.maximumf %add3A_16, %max3A_17 : vector<640x128xf32>
    %get3A_19 = arith.constant 0 : index
    %get3A_20 = arith.constant 0 : index
    %get3A_21 = vector.load %arg3[%get3A_19, %get3A_20] : memref<640x1xf32, #tpu.memory_space<vmem>>, vector<640x1xf32>
    %get3A_22 = arith.constant 0 : index
    %get3A_23 = arith.constant 0 : index
    %get3A_24 = vector.load %arg4[%get3A_22, %get3A_23] : memref<128x128xf32, #tpu.memory_space<vmem>>, vector<128x128xf32>
    %dot_general3A = arith.constant dense<0.000000e+00> : vector<640x128xf32>
    %dot_general3A_25 = tpu.matmul %max3A_18, %get3A_24, %dot_general3A {dimension_numbers = #tpu.dot_dimension_numbers<[1], [0], [0], [1], [0, 0, 1, 1], [], []>, transpose_lhs_hint = false} : vector<640x128xf32>, vector<128x128xf32>, vector<640x128xf32> -> vector<640x128xf32>
    %mul3A_26 = vector.broadcast %get3A_21 : vector<640x1xf32> to vector<640x128xf32>
    %mul3A_27 = arith.mulf %mul3A_26, %dot_general3A_25 : vector<640x128xf32>
    %swap3A = arith.constant 0 : index
    %swap3A_28 = arith.constant 0 : index
    %swap3A_29 = vector.load %arg6[%swap3A, %swap3A_28] : memref<640x128xf32, #tpu.memory_space<vmem>>, vector<640x128xf32>
    tpu.vector_store %arg6[%swap3A, %swap3A_28], %mul3A_27 {strides = array<i32>} : memref<640x128xf32, #tpu.memory_space<vmem>>, vector<640x128xf32>,
    return
  }
  func.func @transform_0(%arg0: i32) -> (i32, i32, i32) {
    %c0_i32 = arith.constant 0 : i32
    %c0_i32_0 = arith.constant 0 : i32
    %c0_i32_1 = arith.constant 0 : i32
    return %c0_i32, %arg0, %c0_i32_0 : i32, i32, i32
  }
  func.func @transform_1(%arg0: i32) -> (i32, i32) {
    %c0_i32 = arith.constant 0 : i32
    %c0_i32_0 = arith.constant 0 : i32
    return %arg0, %c0_i32 : i32, i32
  }
  func.func @transform_2(%arg0: i32) -> (i32, i32) {
    %c0_i32 = arith.constant 0 : i32
    %c0_i32_0 = arith.constant 0 : i32
    return %arg0, %c0_i32 : i32, i32
  }
  func.func @transform_3(%arg0: i32) -> (i32, i32) {
    %c0_i32 = arith.constant 0 : i32
    %c0_i32_0 = arith.constant 0 : i32
    %c0_i32_1 = arith.constant 0 : i32
    return %c0_i32, %c0_i32_0 : i32, i32
  }
  func.func @transform_4(%arg0: i32) -> (i32, i32) {
    %c0_i32 = arith.constant 0 : i32
    %c0_i32_0 = arith.constant 0 : i32
    %c0_i32_1 = arith.constant 0 : i32
    return %c0_i32, %c0_i32_0 : i32, i32
  }
  func.func @transform_5(%arg0: i32) -> (i32, i32) {
    %c0_i32 = arith.constant 0 : i32
    %c0_i32_0 = arith.constant 0 : i32
    return %arg0, %c0_i32 : i32, i32
  }
}

module attributes {stable_mosaic.version = 14 : i64} {
  func.func @_mmC_body(%arg0: i32, %arg1: memref<2x640x128xf32, #tpu.memory_space<vmem>>, %arg2: memref<640x128xf32, #tpu.memory_space<vmem>>, %arg3: memref<640x1xf32, #tpu.memory_space<vmem>>, %arg4: memref<1x128xf32, #tpu.memory_space<vmem>>, %arg5: memref<640x128xf32, #tpu.memory_space<vmem>>) attributes {dimension_semantics = [#tpu.dimension_semantics<arbitrary>], iteration_bounds = array<i64: 16>, scalar_prefetch = 0 : i64, scratch_operands = 0 : i64, tpu.core_type = #tpu.core_type<tc>, window_params = [{transform_indices = @transform_0, window_bounds = array<i64: 2, 640, 128>}, {transform_indices = @transform_1, window_bounds = array<i64: 640, 128>}, {transform_indices = @transform_2, window_bounds = array<i64: 640, 1>}, {pipeline_mode = #tpu.pipeline_mode<synchronous>, transform_indices = @transform_3, window_bounds = array<i64: 1, 128>}, {transform_indices = @transform_4, window_bounds = array<i64: 640, 128>}]} {
    %get3A = arith.constant 0 : index
    %get3A_0 = arith.constant 0 : index
    %get3A_1 = arith.constant 0 : index
    %get3A_2 = vector.load %arg1[%get3A, %get3A_0, %get3A_1] : memref<2x640x128xf32, #tpu.memory_space<vmem>>, vector<2x640x128xf32>
    %get3A_3 = arith.constant 0 : index
    %get3A_4 = arith.constant 0 : index
    %get3A_5 = vector.load %arg3[%get3A_3, %get3A_4] : memref<640x1xf32, #tpu.memory_space<vmem>>, vector<640x1xf32>
    %slice3A = vector.extract_strided_slice %get3A_2 {offsets = [0, 0, 0], sizes = [1, 640, 128], strides = [1, 1, 1]} : vector<2x640x128xf32> to vector<1x640x128xf32>
    %squeeze3A = vector.shape_cast %slice3A : vector<1x640x128xf32> to vector<640x128xf32>
    %slice3A_6 = vector.extract_strided_slice %get3A_2 {offsets = [1, 0, 0], sizes = [1, 640, 128], strides = [1, 1, 1]} : vector<2x640x128xf32> to vector<1x640x128xf32>
    %squeeze3A_7 = vector.shape_cast %slice3A_6 : vector<1x640x128xf32> to vector<640x128xf32>
    %add3A = arith.addf %squeeze3A, %squeeze3A_7 : vector<640x128xf32>
    %get3A_8 = arith.constant 0 : index
    %get3A_9 = arith.constant 0 : index
    %get3A_10 = vector.load %arg2[%get3A_8, %get3A_9] : memref<640x128xf32, #tpu.memory_space<vmem>>, vector<640x128xf32>
    %sub3A = arith.subf %add3A, %get3A_10 : vector<640x128xf32>
    %mul3A = vector.broadcast %get3A_5 : vector<640x1xf32> to vector<640x128xf32>
    %mul3A_11 = arith.mulf %mul3A, %sub3A : vector<640x128xf32>
    %get3A_12 = arith.constant 0 : index
    %get3A_13 = arith.constant 0 : index
    %get3A_14 = vector.load %arg4[%get3A_12, %get3A_13] : memref<1x128xf32, #tpu.memory_space<vmem>>, vector<1x128xf32>
    %add3A_15 = vector.broadcast %get3A_14 : vector<1x128xf32> to vector<640x128xf32>
    %add3A_16 = arith.addf %mul3A_11, %add3A_15 : vector<640x128xf32>
    %swap3A = arith.constant 0 : index
    %swap3A_17 = arith.constant 0 : index
    %swap3A_18 = vector.load %arg5[%swap3A, %swap3A_17] : memref<640x128xf32, #tpu.memory_space<vmem>>, vector<640x128xf32>
    tpu.vector_store %arg5[%swap3A, %swap3A_17], %add3A_16 {strides = array<i32>} : memref<640x128xf32, #tpu.memory_space<vmem>>, vector<640x128xf32>,
    return
  }
  func.func @transform_0(%arg0: i32) -> (i32, i32, i32) {
    %c0_i32 = arith.constant 0 : i32
    %c0_i32_0 = arith.constant 0 : i32
    %c0_i32_1 = arith.constant 0 : i32
    return %c0_i32, %arg0, %c0_i32_0 : i32, i32, i32
  }
  func.func @transform_1(%arg0: i32) -> (i32, i32) {
    %c0_i32 = arith.constant 0 : i32
    %c0_i32_0 = arith.constant 0 : i32
    return %arg0, %c0_i32 : i32, i32
  }
  func.func @transform_2(%arg0: i32) -> (i32, i32) {
    %c0_i32 = arith.constant 0 : i32
    %c0_i32_0 = arith.constant 0 : i32
    return %arg0, %c0_i32 : i32, i32
  }
  func.func @transform_3(%arg0: i32) -> (i32, i32) {
    %c0_i32 = arith.constant 0 : i32
    %c0_i32_0 = arith.constant 0 : i32
    %c0_i32_1 = arith.constant 0 : i32
    return %c0_i32, %c0_i32_0 : i32, i32
  }
  func.func @transform_4(%arg0: i32) -> (i32, i32) {
    %c0_i32 = arith.constant 0 : i32
    %c0_i32_0 = arith.constant 0 : i32
    return %arg0, %c0_i32 : i32, i32
  }
}

</mosaic_0001>

<sc_bundles>
// kernel: kernel.11.cloned.1.call-start
scs
__scs_entry_jumppad:
0x0: {  	(pc) =	sbr.rel $0x88, $3  }
0x1: {  	(tag) =	ssettag $0x0;
	lr =	simm.s32 $0x1  }
0x2: {  	[smem:$0x3F9B] =	sst lr;
	_ =	strace $0xD0000000  }
0x3: {  	_ = 	snop  }
0x4: {  	_ = 	snop  }
0x5: {  	_ = 	snop  }
0x6: {  	_ = 	snop  }
0x7: {  	_ = 	snop  }
__scs_overlays_trampoline_lowered:
0x8: {  	[smem:$0x3FAA] =	sst s0  }
0x9: {  	[smem:$0x3FAB] =	sst s1  }
0xa: {  	[smem:$0x3FAC] =	sst s2  }
0xb: {  	[smem:$0x3FAD] =	sst s3  }
0xc: {  	[smem:$0x3FAE] =	sst s4  }
0xd: {  	[smem:$0x3FAF] =	sst s5  }
0xe: {  	[smem:$0x3FB0] =	sst s6  }
0xf: {  	[smem:$0x3FB1] =	sst s7  }
0x10: {  	[smem:$0x3FB2] =	sst s8  }
0x11: {  	[smem:$0x3FB3] =	sst s9;
	s0 =	simm.s32 @!p0 $0x0  }
0x12: {  	s1 =	sld [smem:$0x3F99];
	s0 =	simm.s32 @p0 $0x1  }
0x13: {  	[smem:$0x3FB4] =	sst s0;
	s0 =	simm.s32 @!p1 $0x0  }
0x14: {  	s2 =	sld [smem:$0x3F98];
	s0 =	simm.s32 @p1 $0x1  }
0x15: {  	[smem:$0x3FB5] =	sst s0;
	s0 =	simm.s32 @!p2 $0x0  }
0x16: {  	s3 =	sld [smem:$0x3FDB];
	s0 =	simm.s32 @p2 $0x1  }
0x17: {  	s4 =	simm.s32 $0x1BF5;
	[smem:$0x3FB7] =	sst s0  }
0x18: {  	s0 =	sld [smem:$0x3F9A];
	_ =	swait.ge [sflag:s4], $0x0  }
0x19: {  	s7 =	sld [smem:$0x3F9B]  }
0x1a: {  	s8 =	sadd.s32 $0xFFFFE003, lr  }
0x1b: {  	s9 =	sadd.s32 $0xFFFFFEF7, lr;
	s5 =	simm.s32 $0xFFFFFFFF;
	p2 =	slt.u32 s8, $0xFFFFF086  }
0x1c: {  	p1 =	slt.u32 s9, $0xF7A;
	s5 =	simm.s32 @!p2 $0x0  }
0x1d: {  	s5 =	simm.s32 @p1 $0x1;
	p0 =	seq.s32 s7, s2  }
0x1e: {  	s7 =	smul.u32 @!p0 $0xF7A, s2;
	p2 =	seq.s32 @!p0 s5, $0x0  }
0x1f: {  	s9 =	smul.u32 $0xF7A, s1;
	s8 =	simm.s32 @!p0 $0x1BF5;
	p2 =	por !p2, p0  }
0x20: {  	[sflag:s8] =	ssyncset.s32 @!p0 $0xFFFFF086;
	s6 =	sadd.s32 @!p0 s3, s7;
	s7 =	simm.s32 @!p0 $0x108  }
0x21: {  	s3 =	sadd.s32 s3, s9;
	s6 =	sadd.s32 @!p0 $0x88, s6;
	s7 =	simm.s32 @p2 $0x1082  }
0x22: {  	[simem:s7], [sflag:s8] =	dma.local @!p0 [hbm:s6], $0xF7A  }
0x23: {  	s9 =	sor.u32 $0xD0000000, s2;
	s6 =	simm.s32 $0x108;
	_ =	swait.ge @!p0 [sflag:s8], $0x0  }
0x24: {  	s3 =	sadd.s32 $0x88, s3;
	s6 =	simm.s32 @!p1 $0x1082;
	[sflag:s4] =	ssyncset.s32 $0xFFFFF086  }
0x25: {  	[simem:s6], [sflag:s4] =	dma.local [hbm:s3], $0xF7A  }
0x26: {  	[smem:$0x3F9B] =	sst s1;
	(tag) =	ssettag s2;
	_ =	strace s9  }
0x27: {  	s1 =	sld [smem:$0x3FAB]  }
0x28: {  	s2 =	sld [smem:$0x3FAC]  }
0x29: {  	s4 =	sld [smem:$0x3FAE]  }
0x2a: {  	p0 =	seq.s32 s5, $0x0;
	s5 =	sld [smem:$0x3FAF]  }
0x2b: {  	s6 =	sld [smem:$0x3FB0]  }
0x2c: {  	s7 =	sld [smem:$0x3FB1]  }
0x2d: {  	s3 =	simm.s32 $0x108;
	s8 =	sld [smem:$0x3FB2]  }
0x2e: {  	s3 =	simm.s32 @!p0 $0x1082;
	s9 =	sld [smem:$0x3FB3]  }
0x2f: {  	lr =	sadd.s32 s0, s3;
	s0 =	sld [smem:$0x3FAA]  }
0x30: {  	s3 =	sld [smem:$0x3FAD]  }
0x31: {  	[smem:$0x3FB6] =	sst s10  }
0x32: {  	s10 =	sld [smem:$0x3FB4];
	_ =	sdelay $0x3  }
0x33: {  	p0 =	seq.s32 s10, $0x1;
	s10 =	sld [smem:$0x3FB6];
	_ =	sdelay $0x3  }
0x34: {  	[smem:$0x3FB6] =	sst s10  }
0x35: {  	s10 =	sld [smem:$0x3FB5];
	_ =	sdelay $0x3  }
0x36: {  	p1 =	seq.s32 s10, $0x1;
	s10 =	sld [smem:$0x3FB6];
	_ =	sdelay $0x3  }
0x37: {  	[smem:$0x3FB6] =	sst s10  }
0x38: {  	s10 =	sld [smem:$0x3FB7]  }
0x39: {  	_ = 	snop;
	(pc) =	sbr.ind lr, $3  }
0x3a: {  	_ = 	snop  }
0x3b: {  	_ = 	snop  }
0x3c: {  	p2 =	seq.s32 s10, $0x1;
	s10 =	sld [smem:$0x3FB6]  }
0x3d: {  	_ =	shalt  }
0x3e: {  	_ =	shalt  }
0x3f: {  	_ =	shalt  }
0x40: {  	_ =	shalt  }
0x41: {  	_ =	shalt  }
0x42: {  	_ =	shalt  }
0x43: {  	_ =	shalt  }
0x44: {  	_ =	shalt  }
0x45: {  	_ =	shalt  }
0x46: {  	_ =	shalt  }
0x47: {  	_ =	shalt  }
0x48: {  	_ =	shalt  }
0x49: {  	_ =	shalt  }
0x4a: {  	_ =	shalt  }
0x4b: {  	_ =	shalt  }
0x4c: {  	_ =	shalt  }
0x4d: {  	_ =	shalt  }
0x4e: {  	_ =	shalt  }
0x4f: {  	_ =	shalt  }
0x50: {  	_ =	shalt  }
0x51: {  	_ =	shalt  }
0x52: {  	_ =	shalt  }
0x53: {  	_ =	shalt  }
0x54: {  	_ =	shalt  }
0x55: {  	_ =	shalt  }
0x56: {  	_ =	shalt  }
0x57: {  	_ =	shalt  }
0x58: {  	_ =	shalt  }
0x59: {  	_ =	shalt  }
0x5a: {  	_ =	shalt  }
0x5b: {  	_ =	shalt  }
0x5c: {  	_ =	shalt  }
0x5d: {  	_ =	shalt  }
0x5e: {  	_ =	shalt  }
0x5f: {  	_ =	shalt  }
0x60: {  	_ =	shalt  }
0x61: {  	_ =	shalt  }
0x62: {  	_ =	shalt  }
0x63: {  	_ =	shalt  }
0x64: {  	_ =	shalt  }
0x65: {  	_ =	shalt  }
0x66: {  	_ =	shalt  }
0x67: {  	_ =	shalt  }
0x68: {  	_ =	shalt  }
0x69: {  	_ =	shalt  }
0x6a: {  	_ =	shalt  }
0x6b: {  	_ =	shalt  }
0x6c: {  	_ =	shalt  }
0x6d: {  	_ =	shalt  }
0x6e: {  	_ =	shalt  }
0x6f: {  	_ =	shalt  }
0x70: {  	_ =	shalt  }
0x71: {  	_ =	shalt  }
0x72: {  	_ =	shalt  }
0x73: {  	_ =	shalt  }
0x74: {  	_ =	shalt  }
0x75: {  	_ =	shalt  }
0x76: {  	_ =	shalt  }
0x77: {  	_ =	shalt  }
0x78: {  	_ =	shalt  }
0x79: {  	_ =	shalt  }
0x7a: {  	_ =	shalt  }
0x7b: {  	_ =	shalt  }
0x7c: {  	_ =	shalt  }
0x7d: {  	_ =	shalt  }
0x7e: {  	_ =	shalt  }
0x7f: {  	_ =	shalt  }
0x80: {  	_ =	shalt  }
0x81: {  	_ =	shalt  }
0x82: {  	_ =	shalt  }
0x83: {  	_ =	shalt  }
0x84: {  	_ =	shalt  }
0x85: {  	_ =	shalt  }
0x86: {  	_ =	shalt  }
0x87: {  	_ =	shalt  }
.Lfunc_end0:
.L_simem_size_0:
called_computation.1_lowered:
.L_overlay_start_0:
0x88: {  	s2 =	sld [smem:$0x3FD9]  }
0x89: {  	s3 =	sld [smem:$0x3FFE];
	_ =	sdelay $0x1  }
0x8a: {  	s1 =	srdreg.scid  }
0x8b: {  	s0 =	sand.u32 $0x1, s1  }
0x8c: {  	s17 =	sshll.u32 s0, $0xA;
	s2 =	sadd.s32 s3, s2  }
0x8d: {  	s2 =	sadd.s32 s2, s17  }
0x8e: {  	[smem:$0x3FC2] =	sst s2  }
0x8f: {  	_ = 	snop  }
0x90: {  	s2 =	sld [smem:$0x3FD0];
	(tm) =	ssettm $0x1  }
0x91: {  	s18 =	sld [smem:$0x3FFB];
	_ =	sdelay $0x3  }
0x92: {  	_ =	strace s18  }
0x93: {  	s3 =	sld [smem:$0x3FFC];
	_ =	sdelay $0x3  }
0x94: {  	_ =	strace s3  }
0x95: {  	s3 =	sld [smem:$0x3FFD];
	_ =	sdelay $0x3  }
0x96: {  	_ =	strace s3  }
0x97: {  	_ =	strace $0x8FFFFFFF  }
0x98: {  	s19 =	sld [smem:$0x3FDB];
	_ =	sdelay $0x1  }
0x99: {  	s4 =	simm.s32 $_scs_section_size  }
0x9a: {  	s5 =	simm.s32 $_size__tile_overlayer_lowered;
	s6 =	simm.s32 $_tile_overlayer_lowered  }
0x9b: {  	s22 =	simm.s32 $0x1BFF;
	s21 =	sshll.u32 s6, $0x1;
	s3 =	sadd.s32 s4, s19  }
0x9c: {  	s7 =	simm.s32 $0x0;
	s20 =	sshll.u32 s5, $0x1;
	s5 =	sadd.s32 s21, s3  }
0x9d: {  	[timem:s7], [sflag:s22] =	dma.local [hbm:s5], s20  }
0x9e: {  	_ =	swait.ge [sflag:s22], s20  }
0x9f: {  	s4 =	ssub.s32 $0x0, s20;
	[sflag:s22] =	ssyncset.done $0x0  }
0xa0: {  	[sflag:s22] =	ssyncadd.s32 s4;
	_ =	sdelay $0x1  }
0xa1: {  	s23 =	simm.s32 $0x1B8B  }
0xa2: {  	_ =	swait.ge [sflag:s23], $0x1  }
0xa3: {  	[sflag:s23] =	ssyncset.done $0x0  }
0xa4: {  	s25 =	simm.s32 $0x1B8E;
	s24 =	sld [smem:$0x3FFE];
	[sflag:s23] =	ssyncadd.s32 $0xFFFFFFFF  }
0xa5: {  	s26 =	simm.s32 $execute0_lowered;
	[smem:$0x3FD2] =	sst s25  }
0xa6: {  	s5 =	sshll.u32 s26, $0x1;
	_ =	strace $0x80000049;
	[dreg:$0x1] =	wrdreg $0xFFFFFFFF  }
0xa7: {  	s28 =	simm.s32 $_size_execute0_lowered;
	s3 =	sadd.s32 s3, s5;
	[dreg:$0x0] =	wrdreg $0x0  }
0xa8: {  	s5 =	sshll.u32 s28, $0x1;
	[dreg:$0x2] =	wrdreg s3  }
0xa9: {  	[dreg:$0x3] =	wrdreg s5  }
0xaa: {  	[dreg:$0x4] =	wrdreg $0xC0  }
0xab: {  	_ =	task [dreg:s7], $0x5FFFF  }
0xac: {  	[dreg:$0x1] =	wrdreg $0xFFFFFFFF  }
0xad: {  	[dreg:$0x0] =	wrdreg $0x60  }
0xae: {  	[dreg:$0x2] =	wrdreg s24  }
0xaf: {  	[dreg:$0x3] =	wrdreg s2  }
0xb0: {  	[dreg:$0x4] =	wrdreg $0xA8000  }
0xb1: {  	[dreg:$0x5] =	wrdreg $0x9  }
0xb2: {  	_ =	task.clear_ibuf [dreg:s7], $0x6FFFF;
	_ =	strace $0x90000049  }
0xb3: {  	s29 =	simm.s32 $0x9;
	_ =	strace $0x8000004B  }
0xb4: {  	_ =	swait.ge [sflag:s29], $0x1  }
0xb5: {  	[sflag:s29] =	ssyncadd.s32 $0xFFFFFFFF  }
0xb6: {  	_ =	strace $0x9000004B  }
0xb7: {  	_ =	sfence  }
0xb8: {  	s30 =	sld [smem:$0x0];
	_ =	sdelay $0x2  }
0xb9: {  	s31 =	sshll.u32 s1, $0xD;
	s1 =	sshrl.u32 s1, $0x2  }
0xba: {  	s3 =	sand.u32 $0x4000, s31;
	s1 =	sadd.s32 s1, s30  }
0xbb: {  	s0 =	sor.u32 s3, s0;
	s1 =	sshll.u32 s1, $0x11  }
0xbc: {  	s0 =	sor.u32 s1, s0  }
0xbd: {  	s0 =	sadd.s32 $0x8F2B, s0  }
0xbe: {  	[sflag:s0] =	ssyncadd.remote.s32 $0x1  }
0xbf: {  	_ =	sfence.sel $0xFFFF  }
0xc0: {  	[dreg:$0x0] =	wrdreg $0xFFFFFFFF;
	(pc) =	sbr.abs _section_cstart, $3  }
0xc1: {  	[dreg:$0x1] =	wrdreg $0xFFFFFFFF  }
0xc2: {  	_ =	task.clear_ibuf [dreg:s7], $0x2FFFF;
	_ =	strace $0x9FFFFFFF  }
0xc3: {  	(tm) =	ssettm $0x7FFFFFFF  }
tec
execute0_lowered:
.L_overlay_start_1:
0x0: {  	(tag) =	ssettag $0x1  }
0x1: {  	s0 =	rddreg [dreg:$0x0]  }
0x2: {  	s2 =	rddreg [dreg:$0x1]  }
0x3: {  	s3 =	rddreg [dreg:$0x2];
	s1 =	srdreg.scid  }
0x4: {  	s13 =	stileid.u32;
	s4 =	simm.s32 $0x0;
	s14 =	simm.s32 $0x1400  }
0x5: {  	s15 =	simm.s32 $0x40;
	s16 =	simm.s32 $0x2800;
	s17 =	simm.s32 $0x80  }
0x6: {  	s18 =	simm.s32 $0x4800;
	s19 =	simm.s32 $0x100;
	s20 =	simm.s32 $0x6800  }
0x7: {  	s21 =	simm.s32 $0x180;
	s22 =	simm.s32 $0x8800;
	s23 =	simm.s32 $0x1  }
0x8: {  	s28 =	simm.s32 $0x2600;
	s29 =	simm.s32 $0x2680;
	s30 =	simm.s32 $0x2700  }
0x9: {  	s31 =	simm.s32 $0x2780;
	s1 =	sand.u32 $0x1, s1;
	s7 =	smul.u32 $0x14000, s13  }
0xa: {  	[smem:$0x7FF] =	sst s4;
	s5 =	sadd.s32 $0x17600, s0;
	s10 =	smul.u32 $0x50000, s13  }
0xb: {  	s6 =	sadd.s32 $0x3600, s0;
	s26 =	sshll.u32 s13, $0x6;
	s8 =	smul.u32 $0x140000, s1  }
0xc: {  	_ =	strace $0x8000004A;
	s9 =	ssub.s32 $0x2, s1;
	s1 =	sshll.u32 s1, $0x4  }
0xd: {  	s24 =	sshrl.u32 s9, $0x1;
	s1 =	sor.u32 s13, s1;
	s25 =	sshrl.u32 s10, $0x2  }
0xe: {  	s13 =	simm.s32 $0x5;
	s8 =	sadd.s32 s7, s8;
	s11 =	ssub.s32 s9, s24  }
0xf: {  	s12 =	sadd.s32 s25, s3;
	s7 =	sshrl.u32 s7, $0x3;
	s9 =	smul.u32 $0x5000, s1  }
0x10: {  	s24 =	simm.s32 $0x2;
	s25 =	simm.s32 $0x3;
	s8 =	sshrl.u32 s8, $0x3  }
0x11: {  	s7 =	sadd.s32 s5, s7;
	s11 =	smax.u32 s11, $0x1;
	s0 =	sadd.s32 s8, s0  }
0x12: {  	s12 =	sshrl.u32 s12, $0x3;
	[dreg:$0x4] =	wrdreg s7;
	s0 =	sadd.s32 $0x3F600, s0  }
0x13: {  	s8 =	sor.u32 $0x1C05, s26;
	s26 =	simm.s32 $0x4;
	[dreg:$0x5] =	wrdreg s0  }
.LBB2_1:
0x14: {  	s0 =	rddreg [dreg:$0x4]  }
0x15: {  	[spmem:s12], [sflag:s8] =	dma.local [hbm:s0], $0x2800  }
0x16: {  	_ =	swait.ge [sflag:s13], $0x2800  }
0x17: {  	[sflag:s13] =	ssyncset.done $0x0  }
0x18: {  	[sflag:s13] =	ssyncadd.s32 $0xFFFFD800  }
0x19: {  	s0 =	simm.s32 $0x0;
	[bflag:$0x0] =	sbarrier.arrive $0xFFFF  }
.LBB2_2:
0x1a: {  	s1 =	smul.u32 $0x1400, s0;
	_ =	sdelay $0x1  }
0x1b: {  	s1 =	sadd.s32 s9, s1  }
0x1c: {  	s1 =	sshrl.u32 s1, $0x3  }
0x1d: {  	s10 =	simm.s32 $0x0;
	s7 =	sadd.s32 s6, s1  }
0x1e: {  	[tilespmem:s10], [sflag:$0x5] =	stream.linear.gather [hbm4b:s7+s10], $0x1400, $0x38;
	[tilespmem:$0x1E800] =	vst v63  }
0x1f: {  	_ =	swait.ge [sflag:s13], $0x1400  }
0x20: {  	[sflag:s13] =	ssyncset.done $0x0  }
0x21: {  	s1 =	sadd.s32 s2, s1;
	[sflag:s13] =	ssyncadd.s32 $0xFFFFEC00  }
0x22: {  	[tilespmem:s14], [sflag:$0x5] =	stream.linear.gather [hbm4b:s1+s10], $0x1400, $0x38;
	[tilespmem:$0x1E800] =	vst v63  }
0x23: {  	_ =	swait.ge [sflag:s13], $0x1400  }
0x24: {  	[sflag:s13] =	ssyncset.done $0x0  }
0x25: {  	[sflag:s13] =	ssyncadd.s32 $0xFFFFEC00  }
0x26: {  	[tilespmem:s16], [sflag:$0x1] =	stream.indirect.gather [hbm4b:s5+s15], $0x80, s10, s15, $0xb8;
	[tilespmem:$0x1E800] =	vst v63  }
0x27: {  	_ = 	snop  }
0x28: {  	[tilespmem:s18], [sflag:$0x2] =	stream.indirect.gather [hbm4b:s5+s15], $0x80, s17, s15, $0xb8;
	[tilespmem:$0x1E800] =	vst v63  }
0x29: {  	_ = 	snop  }
0x2a: {  	[tilespmem:s20], [sflag:$0x3] =	stream.indirect.gather [hbm4b:s5+s15], $0x80, s19, s15, $0xb8;
	[tilespmem:$0x1E800] =	vst v63  }
0x2b: {  	_ = 	snop  }
0x2c: {  	[tilespmem:s22], [sflag:$0x4] =	stream.indirect.gather [hbm4b:s5+s15], $0x80, s21, s15, $0xb8;
	[tilespmem:$0x1E800] =	vst v63  }
0x2d: {  	_ =	swait.ge [sflag:s23], $0x2000  }
0x2e: {  	[sflag:s23] =	ssyncset.done $0x0  }
0x2f: {  	s10 =	simm.s32 $0x1400;
	[sflag:s23] =	ssyncadd.s32 $0xFFFFE000  }
0x30: {  	[spmem:s3] =	stream.indirect.scatter.add.f32 [tilespmem:s16], [sflag:$0x5], $0x80, s10, s15, $0xb8;
	[tilespmem:$0x1E800] =	vst v63  }
0x31: {  	_ =	swait.ge [sflag:s13], $0x2000  }
0x32: {  	[sflag:s13] =	ssyncset.done $0x0  }
0x33: {  	s7 =	simm.s32 $0x200;
	[sflag:s13] =	ssyncadd.s32 $0xFFFFE000  }
0x34: {  	[tilespmem:s16], [sflag:$0x1] =	stream.indirect.gather [hbm4b:s5+s15], $0x80, s7, s15, $0xb8;
	[tilespmem:$0x1E800] =	vst v63  }
0x35: {  	_ =	swait.ge [sflag:s24], $0x2000  }
0x36: {  	[sflag:s24] =	ssyncset.done $0x0  }
0x37: {  	s10 =	simm.s32 $0x1480;
	[sflag:s24] =	ssyncadd.s32 $0xFFFFE000  }
0x38: {  	[spmem:s3] =	stream.indirect.scatter.add.f32 [tilespmem:s18], [sflag:$0x5], $0x80, s10, s15, $0xb8;
	[tilespmem:$0x1E800] =	vst v63  }
0x39: {  	_ =	swait.ge [sflag:s13], $0x2000  }
0x3a: {  	[sflag:s13] =	ssyncset.done $0x0  }
0x3b: {  	s7 =	simm.s32 $0x280;
	[sflag:s13] =	ssyncadd.s32 $0xFFFFE000  }
0x3c: {  	[tilespmem:s18], [sflag:$0x2] =	stream.indirect.gather [hbm4b:s5+s15], $0x80, s7, s15, $0xb8;
	[tilespmem:$0x1E800] =	vst v63  }
0x3d: {  	_ =	swait.ge [sflag:s25], $0x2000  }
0x3e: {  	[sflag:s25] =	ssyncset.done $0x0  }
0x3f: {  	s10 =	simm.s32 $0x1500;
	[sflag:s25] =	ssyncadd.s32 $0xFFFFE000  }
0x40: {  	[spmem:s3] =	stream.indirect.scatter.add.f32 [tilespmem:s20], [sflag:$0x5], $0x80, s10, s15, $0xb8;
	[tilespmem:$0x1E800] =	vst v63  }
0x41: {  	_ =	swait.ge [sflag:s13], $0x2000  }
0x42: {  	[sflag:s13] =	ssyncset.done $0x0  }
0x43: {  	s7 =	simm.s32 $0x300;
	[sflag:s13] =	ssyncadd.s32 $0xFFFFE000  }
0x44: {  	[tilespmem:s20], [sflag:$0x3] =	stream.indirect.gather [hbm4b:s5+s15], $0x80, s7, s15, $0xb8;
	[tilespmem:$0x1E800] =	vst v63  }
0x45: {  	_ =	swait.ge [sflag:s26], $0x2000  }
0x46: {  	[sflag:s26] =	ssyncset.done $0x0  }
0x47: {  	s10 =	simm.s32 $0x1580;
	[sflag:s26] =	ssyncadd.s32 $0xFFFFE000  }
0x48: {  	[spmem:s3] =	stream.indirect.scatter.add.f32 [tilespmem:s22], [sflag:$0x5], $0x80, s10, s15, $0xb8;
	[tilespmem:$0x1E800] =	vst v63  }
0x49: {  	_ =	swait.ge [sflag:s13], $0x2000  }
0x4a: {  	[sflag:s13] =	ssyncset.done $0x0  }
0x4b: {  	s1 =	simm.s32 $0x800;
	s7 =	simm.s32 $0x380;
	[sflag:s13] =	ssyncadd.s32 $0xFFFFE000  }
.LBB2_3:
0x4c: {  	[tilespmem:s22], [sflag:$0x4] =	stream.indirect.gather [hbm4b:s5+s15], $0x80, s7, s15, $0xb8;
	[tilespmem:$0x1E800] =	vst v63  }
0x4d: {  	s7 =	smov.u32 s1  }
0x4e: {  	p0 =	sne.s32 s1, $0x4000;
	s1 =	sadd.s32 $0x800, s1;
	_ =	swait.ge [sflag:s23], $0x2000  }
0x4f: {  	s7 =	sshra.s32 s7, $0x2;
	[sflag:s23] =	ssyncset.done $0x0  }
0x50: {  	s10 =	sadd.s32 $0x1400, s7;
	[sflag:s23] =	ssyncadd.s32 $0xFFFFE000  }
0x51: {  	[spmem:s3] =	stream.indirect.scatter.add.f32 [tilespmem:s16], [sflag:$0x5], $0x80, s10, s15, $0xb8;
	[tilespmem:$0x1E800] =	vst v63  }
0x52: {  	_ =	swait.ge [sflag:s13], $0x2000  }
0x53: {  	[sflag:s13] =	ssyncset.done $0x0  }
0x54: {  	s10 =	sadd.s32 $0x200, s7;
	[sflag:s13] =	ssyncadd.s32 $0xFFFFE000  }
0x55: {  	[tilespmem:s16], [sflag:$0x1] =	stream.indirect.gather [hbm4b:s5+s15], $0x80, s10, s15, $0xb8;
	[tilespmem:$0x1E800] =	vst v63  }
0x56: {  	_ =	swait.ge [sflag:s24], $0x2000  }
0x57: {  	[sflag:s24] =	ssyncset.done $0x0  }
0x58: {  	s10 =	sadd.s32 $0x1480, s7;
	[sflag:s24] =	ssyncadd.s32 $0xFFFFE000  }
0x59: {  	[spmem:s3] =	stream.indirect.scatter.add.f32 [tilespmem:s18], [sflag:$0x5], $0x80, s10, s15, $0xb8;
	[tilespmem:$0x1E800] =	vst v63  }
0x5a: {  	_ =	swait.ge [sflag:s13], $0x2000  }
0x5b: {  	[sflag:s13] =	ssyncset.done $0x0  }
0x5c: {  	s10 =	sadd.s32 $0x280, s7;
	[sflag:s13] =	ssyncadd.s32 $0xFFFFE000  }
0x5d: {  	[tilespmem:s18], [sflag:$0x2] =	stream.indirect.gather [hbm4b:s5+s15], $0x80, s10, s15, $0xb8;
	[tilespmem:$0x1E800] =	vst v63  }
0x5e: {  	_ =	swait.ge [sflag:s25], $0x2000  }
0x5f: {  	[sflag:s25] =	ssyncset.done $0x0  }
0x60: {  	s10 =	sadd.s32 $0x1500, s7;
	[sflag:s25] =	ssyncadd.s32 $0xFFFFE000  }
0x61: {  	[spmem:s3] =	stream.indirect.scatter.add.f32 [tilespmem:s20], [sflag:$0x5], $0x80, s10, s15, $0xb8;
	[tilespmem:$0x1E800] =	vst v63  }
0x62: {  	_ =	swait.ge [sflag:s13], $0x2000  }
0x63: {  	[sflag:s13] =	ssyncset.done $0x0  }
0x64: {  	s10 =	sadd.s32 $0x300, s7;
	[sflag:s13] =	ssyncadd.s32 $0xFFFFE000  }
0x65: {  	[tilespmem:s20], [sflag:$0x3] =	stream.indirect.gather [hbm4b:s5+s15], $0x80, s10, s15, $0xb8;
	[tilespmem:$0x1E800] =	vst v63  }
0x66: {  	_ =	swait.ge [sflag:s26], $0x2000  }
0x67: {  	[sflag:s26] =	ssyncset.done $0x0  }
.Ltmp0:
0x68: {  	s10 =	sadd.s32 $0x1580, s7;
	[sflag:s26] =	ssyncadd.s32 $0xFFFFE000;
	(pc) =	sbr.rel @p0 .LBB2_3-.Ltmp0, $4  }
0x69: {  	[spmem:s3] =	stream.indirect.scatter.add.f32 [tilespmem:s22], [sflag:$0x5], $0x80, s10, s15, $0xb8;
	[tilespmem:$0x1E800] =	vst v63  }
0x6a: {  	_ =	swait.ge [sflag:s13], $0x2000  }
0x6b: {  	[sflag:s13] =	ssyncset.done $0x0  }
0x6c: {  	s7 =	sadd.s32 $0x380, s7;
	[sflag:s13] =	ssyncadd.s32 $0xFFFFE000  }
0x6d: {  	[tilespmem:s22], [sflag:$0x4] =	stream.indirect.gather [hbm4b:s5+s15], $0x80, s7, s15, $0xb8;
	[tilespmem:$0x1E800] =	vst v63  }
0x6e: {  	_ =	swait.ge [sflag:s23], $0x2000  }
0x6f: {  	[sflag:s23] =	ssyncset.done $0x0  }
0x70: {  	[sflag:s23] =	ssyncadd.s32 $0xFFFFE000  }
0x71: {  	[spmem:s3] =	stream.indirect.scatter.add.f32 [tilespmem:s16], [sflag:$0x5], $0x80, s28, s15, $0xb8;
	[tilespmem:$0x1E800] =	vst v63  }
0x72: {  	_ =	swait.ge [sflag:s13], $0x2000  }
0x73: {  	[sflag:s13] =	ssyncset.done $0x0  }
0x74: {  	[sflag:s13] =	ssyncadd.s32 $0xFFFFE000  }
0x75: {  	_ =	swait.ge [sflag:s24], $0x2000  }
0x76: {  	[sflag:s24] =	ssyncset.done $0x0  }
0x77: {  	[sflag:s24] =	ssyncadd.s32 $0xFFFFE000  }
0x78: {  	[spmem:s3] =	stream.indirect.scatter.add.f32 [tilespmem:s18], [sflag:$0x5], $0x80, s29, s15, $0xb8;
	[tilespmem:$0x1E800] =	vst v63  }
0x79: {  	_ =	swait.ge [sflag:s13], $0x2000  }
0x7a: {  	[sflag:s13] =	ssyncset.done $0x0  }
0x7b: {  	[sflag:s13] =	ssyncadd.s32 $0xFFFFE000  }
0x7c: {  	_ =	swait.ge [sflag:s25], $0x2000  }
0x7d: {  	[sflag:s25] =	ssyncset.done $0x0  }
0x7e: {  	[sflag:s25] =	ssyncadd.s32 $0xFFFFE000  }
0x7f: {  	[spmem:s3] =	stream.indirect.scatter.add.f32 [tilespmem:s20], [sflag:$0x5], $0x80, s30, s15, $0xb8;
	[tilespmem:$0x1E800] =	vst v63  }
0x80: {  	_ =	swait.ge [sflag:s13], $0x2000  }
0x81: {  	[sflag:s13] =	ssyncset.done $0x0  }
0x82: {  	[sflag:s13] =	ssyncadd.s32 $0xFFFFE000  }
0x83: {  	s0 =	sadd.s32 $0x1, s0;
	_ =	swait.ge [sflag:s26], $0x2000  }
0x84: {  	p0 =	sne.s32 s0, $0x4;
	[sflag:s26] =	ssyncset.done $0x0  }
.Ltmp1:
0x85: {  	[sflag:s26] =	ssyncadd.s32 $0xFFFFE000;
	(pc) =	sbr.rel @p0 .LBB2_2-.Ltmp1, $4  }
0x86: {  	[spmem:s3] =	stream.indirect.scatter.add.f32 [tilespmem:s22], [sflag:$0x5], $0x80, s31, s15, $0xb8;
	[tilespmem:$0x1E800] =	vst v63  }
0x87: {  	_ =	swait.ge [sflag:s13], $0x2000  }
0x88: {  	[sflag:s13] =	ssyncset.done $0x0  }
0x89: {  	[sflag:s13] =	ssyncadd.s32 $0xFFFFE000  }
0x8a: {  	s4 =	sadd.s32 $0x1, s4  }
0x8b: {  	[bflag:$0x0] =	sbarrier.arrive $0xFFFF;
	p0 =	sne.s32 s4, s11  }
.Ltmp2:
0x8c: {  	s0 =	rddreg [dreg:$0x5];
	(pc) =	sbr.rel @p0 .LBB2_1-.Ltmp2, $4  }
0x8d: {  	[hbm:s0], [sflag:s8] =	dma.local [spmem:s12], $0x2800  }
0x8e: {  	_ =	swait.ge [sflag:s13], $0x2800  }
0x8f: {  	[sflag:s13] =	ssyncset.done $0x0  }
0x90: {  	[sflag:s13] =	ssyncadd.s32 $0xFFFFD800  }
0x91: {  	_ =	sfence.sel $0x180000  }
0x92: {  	[bflag:$0x0] =	sbarrier.arrive $0xFFFF  }
0x93: {  	_ =	strace $0x9000004A  }
0x94: {  	s0 =	stileid.u32;
	[bflag:$0x2] =	sbarrier.arrive $0xFFFF  }
0x95: {  	p0 =	sne.s32 s0, $0x0;
	s0 =	rddreg [dreg:$0x3]  }
0x96: {  	s0 =	sadd.s32 @!p0 $0x100000, s0  }
0x97: {  	[sflag:s0] =	ssyncadd.tile.s32 @!p0 $0x1;
	_ =	shalt  }
.Lfunc_end2:
_tile_overlayer_lowered:
.L_overlay_start_2:
0x98: {  	(tag) =	ssettag $0x2  }
0x99: {  	s0 =	rddreg [dreg:$0x0];
	s2 =	stileid.u32  }
0x9a: {  	s1 =	rddreg [dreg:$0x1];
	p0 =	sne.s32 s2, $0x0  }
0x9b: {  	s3 =	rddreg [dreg:$0x2];
	[bflag:$0x3] =	sbarrier.arrive $0xFFFF;
	s2 =	simm.s32 @!p0 $0x1C05  }
0x9c: {  	[timem:s3], [sflag:s2] =	dma.local @!p0 [hbm:s0], s1  }
0x9d: {  	s0 =	simm.s32 @!p0 $0x5  }
0x9e: {  	_ =	swait.ge @!p0 [sflag:s0], s1  }
0x9f: {  	s1 =	ssub.s32 @!p0 $0x0, s1;
	[sflag:s0] =	ssyncset.done @!p0 $0x0  }
0xa0: {  	[sflag:s0] =	ssyncadd.s32 @!p0 s1  }
0xa1: {  	[bflag:$0x3] =	sbarrier.arrive $0xFFFF  }
0xa2: {  	_ =	shalt  }

// kernel: kernel.14.cloned.1.call-start
scs
__scs_entry_jumppad:
0x0: {  	(pc) =	sbr.rel $0x88, $3  }
0x1: {  	(tag) =	ssettag $0x0;
	lr =	simm.s32 $0x1  }
0x2: {  	[smem:$0x3F9B] =	sst lr;
	_ =	strace $0xD0000000  }
0x3: {  	_ = 	snop  }
0x4: {  	_ = 	snop  }
0x5: {  	_ = 	snop  }
0x6: {  	_ = 	snop  }
0x7: {  	_ = 	snop  }
__scs_overlays_trampoline_lowered:
0x8: {  	[smem:$0x3FAA] =	sst s0  }
0x9: {  	[smem:$0x3FAB] =	sst s1  }
0xa: {  	[smem:$0x3FAC] =	sst s2  }
0xb: {  	[smem:$0x3FAD] =	sst s3  }
0xc: {  	[smem:$0x3FAE] =	sst s4  }
0xd: {  	[smem:$0x3FAF] =	sst s5  }
0xe: {  	[smem:$0x3FB0] =	sst s6  }
0xf: {  	[smem:$0x3FB1] =	sst s7  }
0x10: {  	[smem:$0x3FB2] =	sst s8  }
0x11: {  	[smem:$0x3FB3] =	sst s9;
	s0 =	simm.s32 @!p0 $0x0  }
0x12: {  	s1 =	sld [smem:$0x3F99];
	s0 =	simm.s32 @p0 $0x1  }
0x13: {  	[smem:$0x3FB4] =	sst s0;
	s0 =	simm.s32 @!p1 $0x0  }
0x14: {  	s2 =	sld [smem:$0x3F98];
	s0 =	simm.s32 @p1 $0x1  }
0x15: {  	[smem:$0x3FB5] =	sst s0;
	s0 =	simm.s32 @!p2 $0x0  }
0x16: {  	s3 =	sld [smem:$0x3FDB];
	s0 =	simm.s32 @p2 $0x1  }
0x17: {  	s4 =	simm.s32 $0x1BF5;
	[smem:$0x3FB7] =	sst s0  }
0x18: {  	s0 =	sld [smem:$0x3F9A];
	_ =	swait.ge [sflag:s4], $0x0  }
0x19: {  	s7 =	sld [smem:$0x3F9B]  }
0x1a: {  	s8 =	sadd.s32 $0xFFFFE003, lr  }
0x1b: {  	s9 =	sadd.s32 $0xFFFFFEF7, lr;
	s5 =	simm.s32 $0xFFFFFFFF;
	p2 =	slt.u32 s8, $0xFFFFF086  }
0x1c: {  	p1 =	slt.u32 s9, $0xF7A;
	s5 =	simm.s32 @!p2 $0x0  }
0x1d: {  	s5 =	simm.s32 @p1 $0x1;
	p0 =	seq.s32 s7, s2  }
0x1e: {  	s7 =	smul.u32 @!p0 $0xF7A, s2;
	p2 =	seq.s32 @!p0 s5, $0x0  }
0x1f: {  	s9 =	smul.u32 $0xF7A, s1;
	s8 =	simm.s32 @!p0 $0x1BF5;
	p2 =	por !p2, p0  }
0x20: {  	[sflag:s8] =	ssyncset.s32 @!p0 $0xFFFFF086;
	s6 =	sadd.s32 @!p0 s3, s7;
	s7 =	simm.s32 @!p0 $0x108  }
0x21: {  	s3 =	sadd.s32 s3, s9;
	s6 =	sadd.s32 @!p0 $0x88, s6;
	s7 =	simm.s32 @p2 $0x1082  }
0x22: {  	[simem:s7], [sflag:s8] =	dma.local @!p0 [hbm:s6], $0xF7A  }
0x23: {  	s9 =	sor.u32 $0xD0000000, s2;
	s6 =	simm.s32 $0x108;
	_ =	swait.ge @!p0 [sflag:s8], $0x0  }
0x24: {  	s3 =	sadd.s32 $0x88, s3;
	s6 =	simm.s32 @!p1 $0x1082;
	[sflag:s4] =	ssyncset.s32 $0xFFFFF086  }
0x25: {  	[simem:s6], [sflag:s4] =	dma.local [hbm:s3], $0xF7A  }
0x26: {  	[smem:$0x3F9B] =	sst s1;
	(tag) =	ssettag s2;
	_ =	strace s9  }
0x27: {  	s1 =	sld [smem:$0x3FAB]  }
0x28: {  	s2 =	sld [smem:$0x3FAC]  }
0x29: {  	s4 =	sld [smem:$0x3FAE]  }
0x2a: {  	p0 =	seq.s32 s5, $0x0;
	s5 =	sld [smem:$0x3FAF]  }
0x2b: {  	s6 =	sld [smem:$0x3FB0]  }
0x2c: {  	s7 =	sld [smem:$0x3FB1]  }
0x2d: {  	s3 =	simm.s32 $0x108;
	s8 =	sld [smem:$0x3FB2]  }
0x2e: {  	s3 =	simm.s32 @!p0 $0x1082;
	s9 =	sld [smem:$0x3FB3]  }
0x2f: {  	lr =	sadd.s32 s0, s3;
	s0 =	sld [smem:$0x3FAA]  }
0x30: {  	s3 =	sld [smem:$0x3FAD]  }
0x31: {  	[smem:$0x3FB6] =	sst s10  }
0x32: {  	s10 =	sld [smem:$0x3FB4];
	_ =	sdelay $0x3  }
0x33: {  	p0 =	seq.s32 s10, $0x1;
	s10 =	sld [smem:$0x3FB6];
	_ =	sdelay $0x3  }
0x34: {  	[smem:$0x3FB6] =	sst s10  }
0x35: {  	s10 =	sld [smem:$0x3FB5];
	_ =	sdelay $0x3  }
0x36: {  	p1 =	seq.s32 s10, $0x1;
	s10 =	sld [smem:$0x3FB6];
	_ =	sdelay $0x3  }
0x37: {  	[smem:$0x3FB6] =	sst s10  }
0x38: {  	s10 =	sld [smem:$0x3FB7]  }
0x39: {  	_ = 	snop;
	(pc) =	sbr.ind lr, $3  }
0x3a: {  	_ = 	snop  }
0x3b: {  	_ = 	snop  }
0x3c: {  	p2 =	seq.s32 s10, $0x1;
	s10 =	sld [smem:$0x3FB6]  }
0x3d: {  	_ =	shalt  }
0x3e: {  	_ =	shalt  }
0x3f: {  	_ =	shalt  }
0x40: {  	_ =	shalt  }
0x41: {  	_ =	shalt  }
0x42: {  	_ =	shalt  }
0x43: {  	_ =	shalt  }
0x44: {  	_ =	shalt  }
0x45: {  	_ =	shalt  }
0x46: {  	_ =	shalt  }
0x47: {  	_ =	shalt  }
0x48: {  	_ =	shalt  }
0x49: {  	_ =	shalt  }
0x4a: {  	_ =	shalt  }
0x4b: {  	_ =	shalt  }
0x4c: {  	_ =	shalt  }
0x4d: {  	_ =	shalt  }
0x4e: {  	_ =	shalt  }
0x4f: {  	_ =	shalt  }
0x50: {  	_ =	shalt  }
0x51: {  	_ =	shalt  }
0x52: {  	_ =	shalt  }
0x53: {  	_ =	shalt  }
0x54: {  	_ =	shalt  }
0x55: {  	_ =	shalt  }
0x56: {  	_ =	shalt  }
0x57: {  	_ =	shalt  }
0x58: {  	_ =	shalt  }
0x59: {  	_ =	shalt  }
0x5a: {  	_ =	shalt  }
0x5b: {  	_ =	shalt  }
0x5c: {  	_ =	shalt  }
0x5d: {  	_ =	shalt  }
0x5e: {  	_ =	shalt  }
0x5f: {  	_ =	shalt  }
0x60: {  	_ =	shalt  }
0x61: {  	_ =	shalt  }
0x62: {  	_ =	shalt  }
0x63: {  	_ =	shalt  }
0x64: {  	_ =	shalt  }
0x65: {  	_ =	shalt  }
0x66: {  	_ =	shalt  }
0x67: {  	_ =	shalt  }
0x68: {  	_ =	shalt  }
0x69: {  	_ =	shalt  }
0x6a: {  	_ =	shalt  }
0x6b: {  	_ =	shalt  }
0x6c: {  	_ =	shalt  }
0x6d: {  	_ =	shalt  }
0x6e: {  	_ =	shalt  }
0x6f: {  	_ =	shalt  }
0x70: {  	_ =	shalt  }
0x71: {  	_ =	shalt  }
0x72: {  	_ =	shalt  }
0x73: {  	_ =	shalt  }
0x74: {  	_ =	shalt  }
0x75: {  	_ =	shalt  }
0x76: {  	_ =	shalt  }
0x77: {  	_ =	shalt  }
0x78: {  	_ =	shalt  }
0x79: {  	_ =	shalt  }
0x7a: {  	_ =	shalt  }
0x7b: {  	_ =	shalt  }
0x7c: {  	_ =	shalt  }
0x7d: {  	_ =	shalt  }
0x7e: {  	_ =	shalt  }
0x7f: {  	_ =	shalt  }
0x80: {  	_ =	shalt  }
0x81: {  	_ =	shalt  }
0x82: {  	_ =	shalt  }
0x83: {  	_ =	shalt  }
0x84: {  	_ =	shalt  }
0x85: {  	_ =	shalt  }
0x86: {  	_ =	shalt  }
0x87: {  	_ =	shalt  }
.Lfunc_end0:
.L_simem_size_0:
called_computation.2_lowered:
.L_overlay_start_0:
0x88: {  	s2 =	sld [smem:$0x3FD9]  }
0x89: {  	s3 =	sld [smem:$0x3FFE];
	_ =	sdelay $0x1  }
0x8a: {  	s1 =	srdreg.scid  }
0x8b: {  	s0 =	sand.u32 $0x1, s1  }
0x8c: {  	s17 =	sshll.u32 s0, $0xA;
	s2 =	sadd.s32 s3, s2  }
0x8d: {  	s2 =	sadd.s32 s2, s17  }
0x8e: {  	[smem:$0x3FC2] =	sst s2  }
0x8f: {  	_ = 	snop  }
0x90: {  	s2 =	sld [smem:$0x3FD0];
	(tm) =	ssettm $0x1  }
0x91: {  	s18 =	sld [smem:$0x3FFB];
	_ =	sdelay $0x3  }
0x92: {  	_ =	strace s18  }
0x93: {  	s3 =	sld [smem:$0x3FFC];
	_ =	sdelay $0x3  }
0x94: {  	_ =	strace s3  }
0x95: {  	s3 =	sld [smem:$0x3FFD];
	_ =	sdelay $0x3  }
0x96: {  	_ =	strace s3  }
0x97: {  	_ =	strace $0x8FFFFFFF  }
0x98: {  	s19 =	sld [smem:$0x3FDB];
	_ =	sdelay $0x1  }
0x99: {  	s4 =	simm.s32 $_scs_section_size  }
0x9a: {  	s5 =	simm.s32 $_size__tile_overlayer_lowered;
	s6 =	simm.s32 $_tile_overlayer_lowered  }
0x9b: {  	s22 =	simm.s32 $0x1BFF;
	s21 =	sshll.u32 s6, $0x1;
	s3 =	sadd.s32 s4, s19  }
0x9c: {  	s7 =	simm.s32 $0x0;
	s20 =	sshll.u32 s5, $0x1;
	s5 =	sadd.s32 s21, s3  }
0x9d: {  	[timem:s7], [sflag:s22] =	dma.local [hbm:s5], s20  }
0x9e: {  	_ =	swait.ge [sflag:s22], s20  }
0x9f: {  	s4 =	ssub.s32 $0x0, s20;
	[sflag:s22] =	ssyncset.done $0x0  }
0xa0: {  	[sflag:s22] =	ssyncadd.s32 s4;
	_ =	sdelay $0x1  }
0xa1: {  	s23 =	simm.s32 $0x1B8B  }
0xa2: {  	_ =	swait.ge [sflag:s23], $0x1  }
0xa3: {  	[sflag:s23] =	ssyncset.done $0x0  }
0xa4: {  	s25 =	simm.s32 $0x1B8E;
	s24 =	sld [smem:$0x3FFE];
	[sflag:s23] =	ssyncadd.s32 $0xFFFFFFFF  }
0xa5: {  	s26 =	simm.s32 $execute0_lowered;
	[smem:$0x3FD2] =	sst s25  }
0xa6: {  	s5 =	sshll.u32 s26, $0x1;
	_ =	strace $0x8000004C;
	[dreg:$0x1] =	wrdreg $0xFFFFFFFF  }
0xa7: {  	s28 =	simm.s32 $_size_execute0_lowered;
	s3 =	sadd.s32 s3, s5;
	[dreg:$0x0] =	wrdreg $0x0  }
0xa8: {  	s5 =	sshll.u32 s28, $0x1;
	[dreg:$0x2] =	wrdreg s3  }
0xa9: {  	[dreg:$0x3] =	wrdreg s5  }
0xaa: {  	[dreg:$0x4] =	wrdreg $0xC0  }
0xab: {  	_ =	task [dreg:s7], $0x5FFFF  }
0xac: {  	[dreg:$0x1] =	wrdreg $0xFFFFFFFF  }
0xad: {  	[dreg:$0x0] =	wrdreg $0x60  }
0xae: {  	[dreg:$0x2] =	wrdreg s24  }
0xaf: {  	[dreg:$0x3] =	wrdreg s2  }
0xb0: {  	[dreg:$0x4] =	wrdreg $0xA8000  }
0xb1: {  	[dreg:$0x5] =	wrdreg $0x9  }
0xb2: {  	_ =	task.clear_ibuf [dreg:s7], $0x6FFFF;
	_ =	strace $0x9000004C  }
0xb3: {  	s29 =	simm.s32 $0x9;
	_ =	strace $0x8000004E  }
0xb4: {  	_ =	swait.ge [sflag:s29], $0x1  }
0xb5: {  	[sflag:s29] =	ssyncadd.s32 $0xFFFFFFFF  }
0xb6: {  	_ =	strace $0x9000004E  }
0xb7: {  	_ =	sfence  }
0xb8: {  	s30 =	sld [smem:$0x0];
	_ =	sdelay $0x2  }
0xb9: {  	s31 =	sshll.u32 s1, $0xD;
	s1 =	sshrl.u32 s1, $0x2  }
0xba: {  	s3 =	sand.u32 $0x4000, s31;
	s1 =	sadd.s32 s1, s30  }
0xbb: {  	s0 =	sor.u32 s3, s0;
	s1 =	sshll.u32 s1, $0x11  }
0xbc: {  	s0 =	sor.u32 s1, s0  }
0xbd: {  	s0 =	sadd.s32 $0x8F2B, s0  }
0xbe: {  	[sflag:s0] =	ssyncadd.remote.s32 $0x1  }
0xbf: {  	_ =	sfence.sel $0xFFFF  }
0xc0: {  	[dreg:$0x0] =	wrdreg $0xFFFFFFFF;
	(pc) =	sbr.abs _section_cstart, $3  }
0xc1: {  	[dreg:$0x1] =	wrdreg $0xFFFFFFFF  }
0xc2: {  	_ =	task.clear_ibuf [dreg:s7], $0x2FFFF;
	_ =	strace $0x9FFFFFFF  }
0xc3: {  	(tm) =	ssettm $0x7FFFFFFF  }
tec
execute0_lowered:
.L_overlay_start_1:
0x0: {  	(tag) =	ssettag $0x1  }
0x1: {  	s0 =	rddreg [dreg:$0x0]  }
0x2: {  	s2 =	rddreg [dreg:$0x1]  }
0x3: {  	s3 =	rddreg [dreg:$0x2];
	s1 =	srdreg.scid  }
0x4: {  	s13 =	stileid.u32;
	s4 =	simm.s32 $0x0;
	s14 =	simm.s32 $0x1400  }
0x5: {  	s15 =	simm.s32 $0x40;
	s16 =	simm.s32 $0x2800;
	s17 =	simm.s32 $0x80  }
0x6: {  	s18 =	simm.s32 $0x4800;
	s19 =	simm.s32 $0x100;
	s20 =	simm.s32 $0x6800  }
0x7: {  	s21 =	simm.s32 $0x180;
	s22 =	simm.s32 $0x8800;
	s23 =	simm.s32 $0x1  }
0x8: {  	s28 =	simm.s32 $0x2600;
	s29 =	simm.s32 $0x2680;
	s30 =	simm.s32 $0x2700  }
0x9: {  	s31 =	simm.s32 $0x2780;
	s1 =	sand.u32 $0x1, s1;
	s7 =	smul.u32 $0x14000, s13  }
0xa: {  	[smem:$0x7FF] =	sst s4;
	s5 =	sadd.s32 $0x17600, s0;
	s10 =	smul.u32 $0x50000, s13  }
0xb: {  	s6 =	sadd.s32 $0x3600, s0;
	s26 =	sshll.u32 s13, $0x6;
	s8 =	smul.u32 $0x140000, s1  }
0xc: {  	_ =	strace $0x8000004D;
	s9 =	ssub.s32 $0x2, s1;
	s1 =	sshll.u32 s1, $0x4  }
0xd: {  	s24 =	sshrl.u32 s9, $0x1;
	s1 =	sor.u32 s13, s1;
	s25 =	sshrl.u32 s10, $0x2  }
0xe: {  	s13 =	simm.s32 $0x5;
	s8 =	sadd.s32 s7, s8;
	s11 =	ssub.s32 s9, s24  }
0xf: {  	s12 =	sadd.s32 s25, s3;
	s7 =	sshrl.u32 s7, $0x3;
	s9 =	smul.u32 $0x5000, s1  }
0x10: {  	s24 =	simm.s32 $0x2;
	s25 =	simm.s32 $0x3;
	s8 =	sshrl.u32 s8, $0x3  }
0x11: {  	s7 =	sadd.s32 s5, s7;
	s11 =	smax.u32 s11, $0x1;
	s0 =	sadd.s32 s8, s0  }
0x12: {  	s12 =	sshrl.u32 s12, $0x3;
	[dreg:$0x4] =	wrdreg s7;
	s0 =	sadd.s32 $0x3F600, s0  }
0x13: {  	s8 =	sor.u32 $0x1C05, s26;
	s26 =	simm.s32 $0x4;
	[dreg:$0x5] =	wrdreg s0  }
.LBB2_1:
0x14: {  	s0 =	rddreg [dreg:$0x4]  }
0x15: {  	[spmem:s12], [sflag:s8] =	dma.local [hbm:s0], $0x2800  }
0x16: {  	_ =	swait.ge [sflag:s13], $0x2800  }
0x17: {  	[sflag:s13] =	ssyncset.done $0x0  }
0x18: {  	[sflag:s13] =	ssyncadd.s32 $0xFFFFD800  }
0x19: {  	s0 =	simm.s32 $0x0;
	[bflag:$0x0] =	sbarrier.arrive $0xFFFF  }
.LBB2_2:
0x1a: {  	s1 =	smul.u32 $0x1400, s0;
	_ =	sdelay $0x1  }
0x1b: {  	s1 =	sadd.s32 s9, s1  }
0x1c: {  	s1 =	sshrl.u32 s1, $0x3  }
0x1d: {  	s10 =	simm.s32 $0x0;
	s7 =	sadd.s32 s6, s1  }
0x1e: {  	[tilespmem:s10], [sflag:$0x5] =	stream.linear.gather [hbm4b:s7+s10], $0x1400, $0x38;
	[tilespmem:$0x1E800] =	vst v63  }
0x1f: {  	_ =	swait.ge [sflag:s13], $0x1400  }
0x20: {  	[sflag:s13] =	ssyncset.done $0x0  }
0x21: {  	s1 =	sadd.s32 s2, s1;
	[sflag:s13] =	ssyncadd.s32 $0xFFFFEC00  }
0x22: {  	[tilespmem:s14], [sflag:$0x5] =	stream.linear.gather [hbm4b:s1+s10], $0x1400, $0x38;
	[tilespmem:$0x1E800] =	vst v63  }
0x23: {  	_ =	swait.ge [sflag:s13], $0x1400  }
0x24: {  	[sflag:s13] =	ssyncset.done $0x0  }
0x25: {  	[sflag:s13] =	ssyncadd.s32 $0xFFFFEC00  }
0x26: {  	[tilespmem:s16], [sflag:$0x1] =	stream.indirect.gather [hbm4b:s5+s15], $0x80, s10, s15, $0xb8;
	[tilespmem:$0x1E800] =	vst v63  }
0x27: {  	_ = 	snop  }
0x28: {  	[tilespmem:s18], [sflag:$0x2] =	stream.indirect.gather [hbm4b:s5+s15], $0x80, s17, s15, $0xb8;
	[tilespmem:$0x1E800] =	vst v63  }
0x29: {  	_ = 	snop  }
0x2a: {  	[tilespmem:s20], [sflag:$0x3] =	stream.indirect.gather [hbm4b:s5+s15], $0x80, s19, s15, $0xb8;
	[tilespmem:$0x1E800] =	vst v63  }
0x2b: {  	_ = 	snop  }
0x2c: {  	[tilespmem:s22], [sflag:$0x4] =	stream.indirect.gather [hbm4b:s5+s15], $0x80, s21, s15, $0xb8;
	[tilespmem:$0x1E800] =	vst v63  }
0x2d: {  	_ =	swait.ge [sflag:s23], $0x2000  }
0x2e: {  	[sflag:s23] =	ssyncset.done $0x0  }
0x2f: {  	s10 =	simm.s32 $0x1400;
	[sflag:s23] =	ssyncadd.s32 $0xFFFFE000  }
0x30: {  	[spmem:s3] =	stream.indirect.scatter.add.f32 [tilespmem:s16], [sflag:$0x5], $0x80, s10, s15, $0xb8;
	[tilespmem:$0x1E800] =	vst v63  }
0x31: {  	_ =	swait.ge [sflag:s13], $0x2000  }
0x32: {  	[sflag:s13] =	ssyncset.done $0x0  }
0x33: {  	s7 =	simm.s32 $0x200;
	[sflag:s13] =	ssyncadd.s32 $0xFFFFE000  }
0x34: {  	[tilespmem:s16], [sflag:$0x1] =	stream.indirect.gather [hbm4b:s5+s15], $0x80, s7, s15, $0xb8;
	[tilespmem:$0x1E800] =	vst v63  }
0x35: {  	_ =	swait.ge [sflag:s24], $0x2000  }
0x36: {  	[sflag:s24] =	ssyncset.done $0x0  }
0x37: {  	s10 =	simm.s32 $0x1480;
	[sflag:s24] =	ssyncadd.s32 $0xFFFFE000  }
0x38: {  	[spmem:s3] =	stream.indirect.scatter.add.f32 [tilespmem:s18], [sflag:$0x5], $0x80, s10, s15, $0xb8;
	[tilespmem:$0x1E800] =	vst v63  }
0x39: {  	_ =	swait.ge [sflag:s13], $0x2000  }
0x3a: {  	[sflag:s13] =	ssyncset.done $0x0  }
0x3b: {  	s7 =	simm.s32 $0x280;
	[sflag:s13] =	ssyncadd.s32 $0xFFFFE000  }
0x3c: {  	[tilespmem:s18], [sflag:$0x2] =	stream.indirect.gather [hbm4b:s5+s15], $0x80, s7, s15, $0xb8;
	[tilespmem:$0x1E800] =	vst v63  }
0x3d: {  	_ =	swait.ge [sflag:s25], $0x2000  }
0x3e: {  	[sflag:s25] =	ssyncset.done $0x0  }
0x3f: {  	s10 =	simm.s32 $0x1500;
	[sflag:s25] =	ssyncadd.s32 $0xFFFFE000  }
0x40: {  	[spmem:s3] =	stream.indirect.scatter.add.f32 [tilespmem:s20], [sflag:$0x5], $0x80, s10, s15, $0xb8;
	[tilespmem:$0x1E800] =	vst v63  }
0x41: {  	_ =	swait.ge [sflag:s13], $0x2000  }
0x42: {  	[sflag:s13] =	ssyncset.done $0x0  }
0x43: {  	s7 =	simm.s32 $0x300;
	[sflag:s13] =	ssyncadd.s32 $0xFFFFE000  }
0x44: {  	[tilespmem:s20], [sflag:$0x3] =	stream.indirect.gather [hbm4b:s5+s15], $0x80, s7, s15, $0xb8;
	[tilespmem:$0x1E800] =	vst v63  }
0x45: {  	_ =	swait.ge [sflag:s26], $0x2000  }
0x46: {  	[sflag:s26] =	ssyncset.done $0x0  }
0x47: {  	s10 =	simm.s32 $0x1580;
	[sflag:s26] =	ssyncadd.s32 $0xFFFFE000  }
0x48: {  	[spmem:s3] =	stream.indirect.scatter.add.f32 [tilespmem:s22], [sflag:$0x5], $0x80, s10, s15, $0xb8;
	[tilespmem:$0x1E800] =	vst v63  }
0x49: {  	_ =	swait.ge [sflag:s13], $0x2000  }
0x4a: {  	[sflag:s13] =	ssyncset.done $0x0  }
0x4b: {  	s1 =	simm.s32 $0x800;
	s7 =	simm.s32 $0x380;
	[sflag:s13] =	ssyncadd.s32 $0xFFFFE000  }
.LBB2_3:
0x4c: {  	[tilespmem:s22], [sflag:$0x4] =	stream.indirect.gather [hbm4b:s5+s15], $0x80, s7, s15, $0xb8;
	[tilespmem:$0x1E800] =	vst v63  }
0x4d: {  	s7 =	smov.u32 s1  }
0x4e: {  	p0 =	sne.s32 s1, $0x4000;
	s1 =	sadd.s32 $0x800, s1;
	_ =	swait.ge [sflag:s23], $0x2000  }
0x4f: {  	s7 =	sshra.s32 s7, $0x2;
	[sflag:s23] =	ssyncset.done $0x0  }
0x50: {  	s10 =	sadd.s32 $0x1400, s7;
	[sflag:s23] =	ssyncadd.s32 $0xFFFFE000  }
0x51: {  	[spmem:s3] =	stream.indirect.scatter.add.f32 [tilespmem:s16], [sflag:$0x5], $0x80, s10, s15, $0xb8;
	[tilespmem:$0x1E800] =	vst v63  }
0x52: {  	_ =	swait.ge [sflag:s13], $0x2000  }
0x53: {  	[sflag:s13] =	ssyncset.done $0x0  }
0x54: {  	s10 =	sadd.s32 $0x200, s7;
	[sflag:s13] =	ssyncadd.s32 $0xFFFFE000  }
0x55: {  	[tilespmem:s16], [sflag:$0x1] =	stream.indirect.gather [hbm4b:s5+s15], $0x80, s10, s15, $0xb8;
	[tilespmem:$0x1E800] =	vst v63  }
0x56: {  	_ =	swait.ge [sflag:s24], $0x2000  }
0x57: {  	[sflag:s24] =	ssyncset.done $0x0  }
0x58: {  	s10 =	sadd.s32 $0x1480, s7;
	[sflag:s24] =	ssyncadd.s32 $0xFFFFE000  }
0x59: {  	[spmem:s3] =	stream.indirect.scatter.add.f32 [tilespmem:s18], [sflag:$0x5], $0x80, s10, s15, $0xb8;
	[tilespmem:$0x1E800] =	vst v63  }
0x5a: {  	_ =	swait.ge [sflag:s13], $0x2000  }
0x5b: {  	[sflag:s13] =	ssyncset.done $0x0  }
0x5c: {  	s10 =	sadd.s32 $0x280, s7;
	[sflag:s13] =	ssyncadd.s32 $0xFFFFE000  }
0x5d: {  	[tilespmem:s18], [sflag:$0x2] =	stream.indirect.gather [hbm4b:s5+s15], $0x80, s10, s15, $0xb8;
	[tilespmem:$0x1E800] =	vst v63  }
0x5e: {  	_ =	swait.ge [sflag:s25], $0x2000  }
0x5f: {  	[sflag:s25] =	ssyncset.done $0x0  }
0x60: {  	s10 =	sadd.s32 $0x1500, s7;
	[sflag:s25] =	ssyncadd.s32 $0xFFFFE000  }
0x61: {  	[spmem:s3] =	stream.indirect.scatter.add.f32 [tilespmem:s20], [sflag:$0x5], $0x80, s10, s15, $0xb8;
	[tilespmem:$0x1E800] =	vst v63  }
0x62: {  	_ =	swait.ge [sflag:s13], $0x2000  }
0x63: {  	[sflag:s13] =	ssyncset.done $0x0  }
0x64: {  	s10 =	sadd.s32 $0x300, s7;
	[sflag:s13] =	ssyncadd.s32 $0xFFFFE000  }
0x65: {  	[tilespmem:s20], [sflag:$0x3] =	stream.indirect.gather [hbm4b:s5+s15], $0x80, s10, s15, $0xb8;
	[tilespmem:$0x1E800] =	vst v63  }
0x66: {  	_ =	swait.ge [sflag:s26], $0x2000  }
0x67: {  	[sflag:s26] =	ssyncset.done $0x0  }
.Ltmp0:
0x68: {  	s10 =	sadd.s32 $0x1580, s7;
	[sflag:s26] =	ssyncadd.s32 $0xFFFFE000;
	(pc) =	sbr.rel @p0 .LBB2_3-.Ltmp0, $4  }
0x69: {  	[spmem:s3] =	stream.indirect.scatter.add.f32 [tilespmem:s22], [sflag:$0x5], $0x80, s10, s15, $0xb8;
	[tilespmem:$0x1E800] =	vst v63  }
0x6a: {  	_ =	swait.ge [sflag:s13], $0x2000  }
0x6b: {  	[sflag:s13] =	ssyncset.done $0x0  }
0x6c: {  	s7 =	sadd.s32 $0x380, s7;
	[sflag:s13] =	ssyncadd.s32 $0xFFFFE000  }
0x6d: {  	[tilespmem:s22], [sflag:$0x4] =	stream.indirect.gather [hbm4b:s5+s15], $0x80, s7, s15, $0xb8;
	[tilespmem:$0x1E800] =	vst v63  }
0x6e: {  	_ =	swait.ge [sflag:s23], $0x2000  }
0x6f: {  	[sflag:s23] =	ssyncset.done $0x0  }
0x70: {  	[sflag:s23] =	ssyncadd.s32 $0xFFFFE000  }
0x71: {  	[spmem:s3] =	stream.indirect.scatter.add.f32 [tilespmem:s16], [sflag:$0x5], $0x80, s28, s15, $0xb8;
	[tilespmem:$0x1E800] =	vst v63  }
0x72: {  	_ =	swait.ge [sflag:s13], $0x2000  }
0x73: {  	[sflag:s13] =	ssyncset.done $0x0  }
0x74: {  	[sflag:s13] =	ssyncadd.s32 $0xFFFFE000  }
0x75: {  	_ =	swait.ge [sflag:s24], $0x2000  }
0x76: {  	[sflag:s24] =	ssyncset.done $0x0  }
0x77: {  	[sflag:s24] =	ssyncadd.s32 $0xFFFFE000  }
0x78: {  	[spmem:s3] =	stream.indirect.scatter.add.f32 [tilespmem:s18], [sflag:$0x5], $0x80, s29, s15, $0xb8;
	[tilespmem:$0x1E800] =	vst v63  }
0x79: {  	_ =	swait.ge [sflag:s13], $0x2000  }
0x7a: {  	[sflag:s13] =	ssyncset.done $0x0  }
0x7b: {  	[sflag:s13] =	ssyncadd.s32 $0xFFFFE000  }
0x7c: {  	_ =	swait.ge [sflag:s25], $0x2000  }
0x7d: {  	[sflag:s25] =	ssyncset.done $0x0  }
0x7e: {  	[sflag:s25] =	ssyncadd.s32 $0xFFFFE000  }
0x7f: {  	[spmem:s3] =	stream.indirect.scatter.add.f32 [tilespmem:s20], [sflag:$0x5], $0x80, s30, s15, $0xb8;
	[tilespmem:$0x1E800] =	vst v63  }
0x80: {  	_ =	swait.ge [sflag:s13], $0x2000  }
0x81: {  	[sflag:s13] =	ssyncset.done $0x0  }
0x82: {  	[sflag:s13] =	ssyncadd.s32 $0xFFFFE000  }
0x83: {  	s0 =	sadd.s32 $0x1, s0;
	_ =	swait.ge [sflag:s26], $0x2000  }
0x84: {  	p0 =	sne.s32 s0, $0x4;
	[sflag:s26] =	ssyncset.done $0x0  }
.Ltmp1:
0x85: {  	[sflag:s26] =	ssyncadd.s32 $0xFFFFE000;
	(pc) =	sbr.rel @p0 .LBB2_2-.Ltmp1, $4  }
0x86: {  	[spmem:s3] =	stream.indirect.scatter.add.f32 [tilespmem:s22], [sflag:$0x5], $0x80, s31, s15, $0xb8;
	[tilespmem:$0x1E800] =	vst v63  }
0x87: {  	_ =	swait.ge [sflag:s13], $0x2000  }
0x88: {  	[sflag:s13] =	ssyncset.done $0x0  }
0x89: {  	[sflag:s13] =	ssyncadd.s32 $0xFFFFE000  }
0x8a: {  	s4 =	sadd.s32 $0x1, s4  }
0x8b: {  	[bflag:$0x0] =	sbarrier.arrive $0xFFFF;
	p0 =	sne.s32 s4, s11  }
.Ltmp2:
0x8c: {  	s0 =	rddreg [dreg:$0x5];
	(pc) =	sbr.rel @p0 .LBB2_1-.Ltmp2, $4  }
0x8d: {  	[hbm:s0], [sflag:s8] =	dma.local [spmem:s12], $0x2800  }
0x8e: {  	_ =	swait.ge [sflag:s13], $0x2800  }
0x8f: {  	[sflag:s13] =	ssyncset.done $0x0  }
0x90: {  	[sflag:s13] =	ssyncadd.s32 $0xFFFFD800  }
0x91: {  	_ =	sfence.sel $0x180000  }
0x92: {  	[bflag:$0x0] =	sbarrier.arrive $0xFFFF  }
0x93: {  	_ =	strace $0x9000004D  }
0x94: {  	s0 =	stileid.u32;
	[bflag:$0x2] =	sbarrier.arrive $0xFFFF  }
0x95: {  	p0 =	sne.s32 s0, $0x0;
	s0 =	rddreg [dreg:$0x3]  }
0x96: {  	s0 =	sadd.s32 @!p0 $0x100000, s0  }
0x97: {  	[sflag:s0] =	ssyncadd.tile.s32 @!p0 $0x1;
	_ =	shalt  }
.Lfunc_end2:
_tile_overlayer_lowered:
.L_overlay_start_2:
0x98: {  	(tag) =	ssettag $0x2  }
0x99: {  	s0 =	rddreg [dreg:$0x0];
	s2 =	stileid.u32  }
0x9a: {  	s1 =	rddreg [dreg:$0x1];
	p0 =	sne.s32 s2, $0x0  }
0x9b: {  	s3 =	rddreg [dreg:$0x2];
	[bflag:$0x3] =	sbarrier.arrive $0xFFFF;
	s2 =	simm.s32 @!p0 $0x1C05  }
0x9c: {  	[timem:s3], [sflag:s2] =	dma.local @!p0 [hbm:s0], s1  }
0x9d: {  	s0 =	simm.s32 @!p0 $0x5  }
0x9e: {  	_ =	swait.ge @!p0 [sflag:s0], s1  }
0x9f: {  	s1 =	ssub.s32 @!p0 $0x0, s1;
	[sflag:s0] =	ssyncset.done @!p0 $0x0  }
0xa0: {  	[sflag:s0] =	ssyncadd.s32 @!p0 s1  }
0xa1: {  	[bflag:$0x3] =	sbarrier.arrive $0xFFFF  }
0xa2: {  	_ =	shalt  }

// kernel: kernel.8.cloned.1.call-start
scs
__scs_entry_jumppad:
0x0: {  	(pc) =	sbr.rel $0x88, $3  }
0x1: {  	(tag) =	ssettag $0x0;
	lr =	simm.s32 $0x1  }
0x2: {  	[smem:$0x3F9B] =	sst lr;
	_ =	strace $0xD0000000  }
0x3: {  	_ = 	snop  }
0x4: {  	_ = 	snop  }
0x5: {  	_ = 	snop  }
0x6: {  	_ = 	snop  }
0x7: {  	_ = 	snop  }
__scs_overlays_trampoline_lowered:
0x8: {  	[smem:$0x3FAA] =	sst s0  }
0x9: {  	[smem:$0x3FAB] =	sst s1  }
0xa: {  	[smem:$0x3FAC] =	sst s2  }
0xb: {  	[smem:$0x3FAD] =	sst s3  }
0xc: {  	[smem:$0x3FAE] =	sst s4  }
0xd: {  	[smem:$0x3FAF] =	sst s5  }
0xe: {  	[smem:$0x3FB0] =	sst s6  }
0xf: {  	[smem:$0x3FB1] =	sst s7  }
0x10: {  	[smem:$0x3FB2] =	sst s8  }
0x11: {  	[smem:$0x3FB3] =	sst s9;
	s0 =	simm.s32 @!p0 $0x0  }
0x12: {  	s1 =	sld [smem:$0x3F99];
	s0 =	simm.s32 @p0 $0x1  }
0x13: {  	[smem:$0x3FB4] =	sst s0;
	s0 =	simm.s32 @!p1 $0x0  }
0x14: {  	s2 =	sld [smem:$0x3F98];
	s0 =	simm.s32 @p1 $0x1  }
0x15: {  	[smem:$0x3FB5] =	sst s0;
	s0 =	simm.s32 @!p2 $0x0  }
0x16: {  	s3 =	sld [smem:$0x3FDB];
	s0 =	simm.s32 @p2 $0x1  }
0x17: {  	s4 =	simm.s32 $0x1BF5;
	[smem:$0x3FB7] =	sst s0  }
0x18: {  	s0 =	sld [smem:$0x3F9A];
	_ =	swait.ge [sflag:s4], $0x0  }
0x19: {  	s7 =	sld [smem:$0x3F9B]  }
0x1a: {  	s8 =	sadd.s32 $0xFFFFE003, lr  }
0x1b: {  	s9 =	sadd.s32 $0xFFFFFEF7, lr;
	s5 =	simm.s32 $0xFFFFFFFF;
	p2 =	slt.u32 s8, $0xFFFFF086  }
0x1c: {  	p1 =	slt.u32 s9, $0xF7A;
	s5 =	simm.s32 @!p2 $0x0  }
0x1d: {  	s5 =	simm.s32 @p1 $0x1;
	p0 =	seq.s32 s7, s2  }
0x1e: {  	s7 =	smul.u32 @!p0 $0xF7A, s2;
	p2 =	seq.s32 @!p0 s5, $0x0  }
0x1f: {  	s9 =	smul.u32 $0xF7A, s1;
	s8 =	simm.s32 @!p0 $0x1BF5;
	p2 =	por !p2, p0  }
0x20: {  	[sflag:s8] =	ssyncset.s32 @!p0 $0xFFFFF086;
	s6 =	sadd.s32 @!p0 s3, s7;
	s7 =	simm.s32 @!p0 $0x108  }
0x21: {  	s3 =	sadd.s32 s3, s9;
	s6 =	sadd.s32 @!p0 $0x88, s6;
	s7 =	simm.s32 @p2 $0x1082  }
0x22: {  	[simem:s7], [sflag:s8] =	dma.local @!p0 [hbm:s6], $0xF7A  }
0x23: {  	s9 =	sor.u32 $0xD0000000, s2;
	s6 =	simm.s32 $0x108;
	_ =	swait.ge @!p0 [sflag:s8], $0x0  }
0x24: {  	s3 =	sadd.s32 $0x88, s3;
	s6 =	simm.s32 @!p1 $0x1082;
	[sflag:s4] =	ssyncset.s32 $0xFFFFF086  }
0x25: {  	[simem:s6], [sflag:s4] =	dma.local [hbm:s3], $0xF7A  }
0x26: {  	[smem:$0x3F9B] =	sst s1;
	(tag) =	ssettag s2;
	_ =	strace s9  }
0x27: {  	s1 =	sld [smem:$0x3FAB]  }
0x28: {  	s2 =	sld [smem:$0x3FAC]  }
0x29: {  	s4 =	sld [smem:$0x3FAE]  }
0x2a: {  	p0 =	seq.s32 s5, $0x0;
	s5 =	sld [smem:$0x3FAF]  }
0x2b: {  	s6 =	sld [smem:$0x3FB0]  }
0x2c: {  	s7 =	sld [smem:$0x3FB1]  }
0x2d: {  	s3 =	simm.s32 $0x108;
	s8 =	sld [smem:$0x3FB2]  }
0x2e: {  	s3 =	simm.s32 @!p0 $0x1082;
	s9 =	sld [smem:$0x3FB3]  }
0x2f: {  	lr =	sadd.s32 s0, s3;
	s0 =	sld [smem:$0x3FAA]  }
0x30: {  	s3 =	sld [smem:$0x3FAD]  }
0x31: {  	[smem:$0x3FB6] =	sst s10  }
0x32: {  	s10 =	sld [smem:$0x3FB4];
	_ =	sdelay $0x3  }
0x33: {  	p0 =	seq.s32 s10, $0x1;
	s10 =	sld [smem:$0x3FB6];
	_ =	sdelay $0x3  }
0x34: {  	[smem:$0x3FB6] =	sst s10  }
0x35: {  	s10 =	sld [smem:$0x3FB5];
	_ =	sdelay $0x3  }
0x36: {  	p1 =	seq.s32 s10, $0x1;
	s10 =	sld [smem:$0x3FB6];
	_ =	sdelay $0x3  }
0x37: {  	[smem:$0x3FB6] =	sst s10  }
0x38: {  	s10 =	sld [smem:$0x3FB7]  }
0x39: {  	_ = 	snop;
	(pc) =	sbr.ind lr, $3  }
0x3a: {  	_ = 	snop  }
0x3b: {  	_ = 	snop  }
0x3c: {  	p2 =	seq.s32 s10, $0x1;
	s10 =	sld [smem:$0x3FB6]  }
0x3d: {  	_ =	shalt  }
0x3e: {  	_ =	shalt  }
0x3f: {  	_ =	shalt  }
0x40: {  	_ =	shalt  }
0x41: {  	_ =	shalt  }
0x42: {  	_ =	shalt  }
0x43: {  	_ =	shalt  }
0x44: {  	_ =	shalt  }
0x45: {  	_ =	shalt  }
0x46: {  	_ =	shalt  }
0x47: {  	_ =	shalt  }
0x48: {  	_ =	shalt  }
0x49: {  	_ =	shalt  }
0x4a: {  	_ =	shalt  }
0x4b: {  	_ =	shalt  }
0x4c: {  	_ =	shalt  }
0x4d: {  	_ =	shalt  }
0x4e: {  	_ =	shalt  }
0x4f: {  	_ =	shalt  }
0x50: {  	_ =	shalt  }
0x51: {  	_ =	shalt  }
0x52: {  	_ =	shalt  }
0x53: {  	_ =	shalt  }
0x54: {  	_ =	shalt  }
0x55: {  	_ =	shalt  }
0x56: {  	_ =	shalt  }
0x57: {  	_ =	shalt  }
0x58: {  	_ =	shalt  }
0x59: {  	_ =	shalt  }
0x5a: {  	_ =	shalt  }
0x5b: {  	_ =	shalt  }
0x5c: {  	_ =	shalt  }
0x5d: {  	_ =	shalt  }
0x5e: {  	_ =	shalt  }
0x5f: {  	_ =	shalt  }
0x60: {  	_ =	shalt  }
0x61: {  	_ =	shalt  }
0x62: {  	_ =	shalt  }
0x63: {  	_ =	shalt  }
0x64: {  	_ =	shalt  }
0x65: {  	_ =	shalt  }
0x66: {  	_ =	shalt  }
0x67: {  	_ =	shalt  }
0x68: {  	_ =	shalt  }
0x69: {  	_ =	shalt  }
0x6a: {  	_ =	shalt  }
0x6b: {  	_ =	shalt  }
0x6c: {  	_ =	shalt  }
0x6d: {  	_ =	shalt  }
0x6e: {  	_ =	shalt  }
0x6f: {  	_ =	shalt  }
0x70: {  	_ =	shalt  }
0x71: {  	_ =	shalt  }
0x72: {  	_ =	shalt  }
0x73: {  	_ =	shalt  }
0x74: {  	_ =	shalt  }
0x75: {  	_ =	shalt  }
0x76: {  	_ =	shalt  }
0x77: {  	_ =	shalt  }
0x78: {  	_ =	shalt  }
0x79: {  	_ =	shalt  }
0x7a: {  	_ =	shalt  }
0x7b: {  	_ =	shalt  }
0x7c: {  	_ =	shalt  }
0x7d: {  	_ =	shalt  }
0x7e: {  	_ =	shalt  }
0x7f: {  	_ =	shalt  }
0x80: {  	_ =	shalt  }
0x81: {  	_ =	shalt  }
0x82: {  	_ =	shalt  }
0x83: {  	_ =	shalt  }
0x84: {  	_ =	shalt  }
0x85: {  	_ =	shalt  }
0x86: {  	_ =	shalt  }
0x87: {  	_ =	shalt  }
.Lfunc_end0:
.L_simem_size_0:
called_computation_lowered:
.L_overlay_start_0:
0x88: {  	s2 =	sld [smem:$0x3FD9]  }
0x89: {  	s3 =	sld [smem:$0x3FFE];
	_ =	sdelay $0x1  }
0x8a: {  	s1 =	srdreg.scid  }
0x8b: {  	s0 =	sand.u32 $0x1, s1  }
0x8c: {  	s17 =	sshll.u32 s0, $0xA;
	s2 =	sadd.s32 s3, s2  }
0x8d: {  	s2 =	sadd.s32 s2, s17  }
0x8e: {  	[smem:$0x3FC2] =	sst s2  }
0x8f: {  	_ = 	snop  }
0x90: {  	s2 =	sld [smem:$0x3FD0];
	(tm) =	ssettm $0x1  }
0x91: {  	s18 =	sld [smem:$0x3FFB];
	_ =	sdelay $0x3  }
0x92: {  	_ =	strace s18  }
0x93: {  	s3 =	sld [smem:$0x3FFC];
	_ =	sdelay $0x3  }
0x94: {  	_ =	strace s3  }
0x95: {  	s3 =	sld [smem:$0x3FFD];
	_ =	sdelay $0x3  }
0x96: {  	_ =	strace s3  }
0x97: {  	_ =	strace $0x8FFFFFFF  }
0x98: {  	s19 =	sld [smem:$0x3FDB];
	_ =	sdelay $0x1  }
0x99: {  	s4 =	simm.s32 $_scs_section_size  }
0x9a: {  	s5 =	simm.s32 $_size__tile_overlayer_lowered;
	s6 =	simm.s32 $_tile_overlayer_lowered  }
0x9b: {  	s22 =	simm.s32 $0x1BFF;
	s21 =	sshll.u32 s6, $0x1;
	s3 =	sadd.s32 s4, s19  }
0x9c: {  	s7 =	simm.s32 $0x0;
	s20 =	sshll.u32 s5, $0x1;
	s5 =	sadd.s32 s21, s3  }
0x9d: {  	[timem:s7], [sflag:s22] =	dma.local [hbm:s5], s20  }
0x9e: {  	_ =	swait.ge [sflag:s22], s20  }
0x9f: {  	s4 =	ssub.s32 $0x0, s20;
	[sflag:s22] =	ssyncset.done $0x0  }
0xa0: {  	[sflag:s22] =	ssyncadd.s32 s4;
	_ =	sdelay $0x1  }
0xa1: {  	s23 =	simm.s32 $0x1B8B  }
0xa2: {  	_ =	swait.ge [sflag:s23], $0x1  }
0xa3: {  	[sflag:s23] =	ssyncset.done $0x0  }
0xa4: {  	s25 =	simm.s32 $0x1B8E;
	s24 =	sld [smem:$0x3FFE];
	[sflag:s23] =	ssyncadd.s32 $0xFFFFFFFF  }
0xa5: {  	s26 =	simm.s32 $execute0_lowered;
	[smem:$0x3FD2] =	sst s25  }
0xa6: {  	s5 =	sshll.u32 s26, $0x1;
	_ =	strace $0x80000046;
	[dreg:$0x1] =	wrdreg $0xFFFFFFFF  }
0xa7: {  	s28 =	simm.s32 $_size_execute0_lowered;
	s3 =	sadd.s32 s3, s5;
	[dreg:$0x0] =	wrdreg $0x0  }
0xa8: {  	s5 =	sshll.u32 s28, $0x1;
	[dreg:$0x2] =	wrdreg s3  }
0xa9: {  	[dreg:$0x3] =	wrdreg s5  }
0xaa: {  	[dreg:$0x4] =	wrdreg $0xC0  }
0xab: {  	_ =	task [dreg:s7], $0x5FFFF  }
0xac: {  	[dreg:$0x1] =	wrdreg $0xFFFFFFFF  }
0xad: {  	[dreg:$0x0] =	wrdreg $0x60  }
0xae: {  	[dreg:$0x2] =	wrdreg s2  }
0xaf: {  	[dreg:$0x3] =	wrdreg s24  }
0xb0: {  	[dreg:$0x4] =	wrdreg $0x53000  }
0xb1: {  	[dreg:$0x5] =	wrdreg $0x9  }
0xb2: {  	_ =	task.clear_ibuf [dreg:s7], $0x6FFFF;
	_ =	strace $0x90000046  }
0xb3: {  	s29 =	simm.s32 $0x9;
	_ =	strace $0x80000048  }
0xb4: {  	_ =	swait.ge [sflag:s29], $0x1  }
0xb5: {  	[sflag:s29] =	ssyncadd.s32 $0xFFFFFFFF  }
0xb6: {  	_ =	strace $0x90000048  }
0xb7: {  	_ =	sfence  }
0xb8: {  	s30 =	sld [smem:$0x0];
	_ =	sdelay $0x2  }
0xb9: {  	s31 =	sshll.u32 s1, $0xD;
	s1 =	sshrl.u32 s1, $0x2  }
0xba: {  	s3 =	sand.u32 $0x4000, s31;
	s1 =	sadd.s32 s1, s30  }
0xbb: {  	s0 =	sor.u32 s3, s0;
	s1 =	sshll.u32 s1, $0x11  }
0xbc: {  	s0 =	sor.u32 s1, s0  }
0xbd: {  	s0 =	sadd.s32 $0x8F2B, s0  }
0xbe: {  	[sflag:s0] =	ssyncadd.remote.s32 $0x1  }
0xbf: {  	_ =	sfence.sel $0xFFFF  }
0xc0: {  	[dreg:$0x0] =	wrdreg $0xFFFFFFFF;
	(pc) =	sbr.abs _section_cstart, $3  }
0xc1: {  	[dreg:$0x1] =	wrdreg $0xFFFFFFFF  }
0xc2: {  	_ =	task.clear_ibuf [dreg:s7], $0x2FFFF;
	_ =	strace $0x9FFFFFFF  }
0xc3: {  	(tm) =	ssettm $0x7FFFFFFF  }
tec
execute0_lowered:
.L_overlay_start_1:
0x0: {  	(tag) =	ssettag $0x1  }
0x1: {  	s5 =	rddreg [dreg:$0x0]  }
0x2: {  	s7 =	rddreg [dreg:$0x1]  }
0x3: {  	s1 =	rddreg [dreg:$0x2];
	s2 =	srdreg.scid  }
0x4: {  	s0 =	rddreg [dreg:$0x3];
	s3 =	simm.s32 $0x0;
	s11 =	simm.s32 $0x5000  }
0x5: {  	s14 =	simm.s32 $0x0;
	s4 =	sand.u32 $0x1, s2;
	[smem:$0x7FF] =	sst s3  }
0x6: {  	s2 =	stileid.u32;
	s6 =	sshll.u32 s4, $0x4;
	s8 =	ssub.s32 $0x2, s4  }
0x7: {  	s9 =	smul.u32 $0x280, s2;
	_ =	strace $0x80000047;
	p0 =	seq.s32 s4, $0x1  }
0x8: {  	s12 =	sshll.u32 s2, $0x6;
	s6 =	sor.u32 s2, s6;
	s10 =	sshrl.u32 s8, $0x1  }
0x9: {  	s12 =	sor.u32 $0x1C01, s12;
	s6 =	smul.u32 $0xA00, s6;
	s8 =	ssub.s32 s8, s10  }
0xa: {  	s10 =	simm.s32 $0x3000;
	s4 =	sadd.s32 s9, s1;
	s9 =	sshrl.u32 s9, $0x3  }
0xb: {  	s10 =	simm.s32 @!p0 $0x2A00;
	s13 =	sshrl.u32 s4, $0x3;
	s5 =	sadd.s32 s5, s6  }
0xc: {  	s6 =	smax.u32 s8, $0x1;
	s7 =	sadd.s32 s10, s7;
	s8 =	simm.s32 $0x5080  }
0xd: {  	v0 =	vimm.f32 $0.0e+00;
	v1 =	vimm.f32 $1.000000000e+00;
	s10 =	simm.s32 $0x40;
	s7 =	sadd.s32 s7, s9;
	s9 =	simm.s32 $0x1  }
.LBB2_1:
0xe: {  	[tilespmem:$0x5080] =	vst v0  }
0xf: {  	[tilespmem:$0x5090] =	vst v0  }
0x10: {  	[tilespmem:$0x50A0] =	vst v0  }
0x11: {  	[tilespmem:$0x50B0] =	vst v0  }
0x12: {  	[tilespmem:$0x50C0] =	vst v0  }
0x13: {  	[tilespmem:$0x50D0] =	vst v0  }
0x14: {  	[tilespmem:$0x50E0] =	vst v0  }
0x15: {  	[tilespmem:$0x50F0] =	vst v0  }
0x16: {  	[tilespmem:$0x5100] =	vst v0  }
0x17: {  	[tilespmem:$0x5110] =	vst v0  }
0x18: {  	[tilespmem:$0x5120] =	vst v0  }
0x19: {  	[tilespmem:$0x5130] =	vst v0  }
0x1a: {  	[tilespmem:$0x5140] =	vst v0  }
0x1b: {  	[tilespmem:$0x5150] =	vst v0  }
0x1c: {  	[tilespmem:$0x5160] =	vst v0  }
0x1d: {  	[tilespmem:$0x5170] =	vst v0  }
0x1e: {  	[tilespmem:$0x5180] =	vst v0  }
0x1f: {  	[tilespmem:$0x5190] =	vst v0  }
0x20: {  	[tilespmem:$0x51A0] =	vst v0  }
0x21: {  	[tilespmem:$0x51B0] =	vst v0  }
0x22: {  	[tilespmem:$0x51C0] =	vst v0  }
0x23: {  	[tilespmem:$0x51D0] =	vst v0  }
0x24: {  	[tilespmem:$0x51E0] =	vst v0  }
0x25: {  	[tilespmem:$0x51F0] =	vst v0  }
0x26: {  	[tilespmem:$0x5200] =	vst v0  }
0x27: {  	[tilespmem:$0x5210] =	vst v0  }
0x28: {  	[tilespmem:$0x5220] =	vst v0  }
0x29: {  	[tilespmem:$0x5230] =	vst v0  }
0x2a: {  	[tilespmem:$0x5240] =	vst v0  }
0x2b: {  	[tilespmem:$0x5250] =	vst v0  }
0x2c: {  	[tilespmem:$0x5260] =	vst v0  }
0x2d: {  	[tilespmem:$0x5270] =	vst v0  }
0x2e: {  	[tilespmem:$0x5280] =	vst v0  }
0x2f: {  	[tilespmem:$0x5290] =	vst v0  }
0x30: {  	[tilespmem:$0x52A0] =	vst v0  }
0x31: {  	[tilespmem:$0x52B0] =	vst v0  }
0x32: {  	[tilespmem:$0x52C0] =	vst v0  }
0x33: {  	[tilespmem:$0x52D0] =	vst v0  }
0x34: {  	[tilespmem:$0x52E0] =	vst v0  }
0x35: {  	[tilespmem:$0x52F0] =	vst v0  }
0x36: {  	[tilespmem:$0x5000] =	vst v1  }
0x37: {  	[tilespmem:$0x5010] =	vst v1  }
0x38: {  	[tilespmem:$0x5020] =	vst v1  }
0x39: {  	[tilespmem:$0x5030] =	vst v1  }
0x3a: {  	[spmem:s4] =	stream.linear.scatter [tilespmem:s8], [sflag:$0x1], $0x280, $0x38;
	[tilespmem:$0x5580] =	vst v63  }
0x3b: {  	_ =	swait.ge [sflag:s9], $0x280  }
0x3c: {  	[sflag:s9] =	ssyncset.done $0x0  }
0x3d: {  	[sflag:s9] =	ssyncadd.s32 $0xFFFFFD80  }
0x3e: {  	[tilespmem:s3], [sflag:$0x1] =	stream.linear.gather [hbm4b:s5+s3], $0x5000, $0x38;
	[tilespmem:$0x5580] =	vst v63  }
0x3f: {  	_ =	swait.ge [sflag:s9], $0x5000  }
0x40: {  	[sflag:s9] =	ssyncset.done $0x0  }
0x41: {  	[sflag:s9] =	ssyncadd.s32 $0xFFFFB000  }
0x42: {  	s15 =	simm.s32 $0x0;
	[bflag:$0x0] =	sbarrier.arrive $0xFFFF  }
0x43: {  	[spmem:s1] =	stream.indirect.scatter.add.f32 [tilespmem:s11], [sflag:$0x1], $0x1, s15, s10, $0xb8;
	[tilespmem:$0x5580] =	vst v63  }
0x44: {  	_ =	swait.ge [sflag:s9], $0x40  }
0x45: {  	s15 =	simm.s32 $0x200;
	[sflag:s9] =	ssyncset.done $0x0  }
.LBB2_2:
0x46: {  	s16 =	sshra.s32 s15, $0x2;
	[sflag:s9] =	ssyncadd.s32 $0xFFFFFFC0;
	p0 =	sne.s32 s15, $0x13E00  }
0x47: {  	[spmem:s1] =	stream.indirect.scatter.add.f32 [tilespmem:s11], [sflag:$0x1], $0x1, s16, s10, $0xb8;
	[tilespmem:$0x5580] =	vst v63  }
.Ltmp0:
0x48: {  	_ = 	snop;
	(pc) =	sbr.rel @p0 .LBB2_2-.Ltmp0, $4  }
0x49: {  	_ = 	snop  }
0x4a: {  	s15 =	sadd.s32 $0x200, s15  }
0x4b: {  	_ =	swait.ge [sflag:s9], $0x40  }
0x4c: {  	[sflag:s9] =	ssyncset.done $0x0  }
0x4d: {  	s14 =	sadd.s32 $0x1, s14  }
0x4e: {  	[sflag:s9] =	ssyncadd.s32 $0xFFFFFFC0;
	p0 =	sne.s32 s14, s6  }
.Ltmp1:
0x4f: {  	[bflag:$0x0] =	sbarrier.arrive $0xFFFF;
	(pc) =	sbr.rel @p0 .LBB2_1-.Ltmp1, $4  }
0x50: {  	[hbm:s7], [sflag:s12] =	dma.local [spmem:s13], $0x50  }
0x51: {  	_ =	swait.ge [sflag:s9], $0x50  }
0x52: {  	[sflag:s9] =	ssyncset.done $0x0  }
0x53: {  	[sflag:s9] =	ssyncadd.s32 $0xFFFFFFB0  }
0x54: {  	_ =	sfence.sel $0x180000  }
0x55: {  	[bflag:$0x0] =	sbarrier.arrive $0xFFFF  }
0x56: {  	p0 =	sne.s32 s2, $0x0;
	_ =	strace $0x90000047  }
0x57: {  	s0 =	sadd.s32 @!p0 $0x100000, s0;
	[bflag:$0x2] =	sbarrier.arrive $0xFFFF  }
0x58: {  	[sflag:s0] =	ssyncadd.tile.s32 @!p0 $0x1;
	_ =	shalt  }
.Lfunc_end2:
_tile_overlayer_lowered:
.L_overlay_start_2:
0x59: {  	(tag) =	ssettag $0x2  }
0x5a: {  	s0 =	rddreg [dreg:$0x0];
	s2 =	stileid.u32  }
0x5b: {  	s1 =	rddreg [dreg:$0x1];
	p0 =	sne.s32 s2, $0x0  }
0x5c: {  	s3 =	rddreg [dreg:$0x2];
	[bflag:$0x3] =	sbarrier.arrive $0xFFFF;
	s2 =	simm.s32 @!p0 $0x1C01  }
0x5d: {  	[timem:s3], [sflag:s2] =	dma.local @!p0 [hbm:s0], s1  }
0x5e: {  	s0 =	simm.s32 @!p0 $0x1  }
0x5f: {  	_ =	swait.ge @!p0 [sflag:s0], s1  }
0x60: {  	s1 =	ssub.s32 @!p0 $0x0, s1;
	[sflag:s0] =	ssyncset.done @!p0 $0x0  }
0x61: {  	[sflag:s0] =	ssyncadd.s32 @!p0 s1  }
0x62: {  	[bflag:$0x3] =	sbarrier.arrive $0xFFFF  }
0x63: {  	_ =	shalt  }

</sc_bundles>
